<compile_context>
chip_gen: v7x
topology: tpu7x:2x2x1
jax: 0.10.2.dev20260603
libtpu: 0.0.44.dev20260713+nightly
codegen_flags: <defaults>
</compile_context>

<pallas_src>
import functools

import jax
import jax.numpy as jnp
from jax import lax
from jax.experimental import pallas as pl
from jax.experimental.pallas import tpu as pltpu
from jax.experimental.pallas import tpu_sc as plsc

_N = 10000
_E = 160000
_D = 128
_G3 = 384

_F32 = jnp.float32
_PREC = lax.Precision.HIGHEST


def _dott(a, b):
    return lax.dot_general(a, b, (((1,), (1,)), ((), ())),
                           precision=_PREC, preferred_element_type=_F32)


def _dot(a, b):
    return lax.dot_general(a, b, (((1,), (0,)), ((), ())),
                           precision=_PREC, preferred_element_type=_F32)


def _dott_fast(a, b):
    return lax.dot_general(a.astype(jnp.bfloat16), b.astype(jnp.bfloat16),
                           (((1,), (1,)), ((), ())),
                           precision=lax.Precision.DEFAULT,
                           preferred_element_type=_F32)


def _gates(gi, gh, hprev):
    r = jax.nn.sigmoid(gi[:, :_D] + gh[:, :_D])
    z = jax.nn.sigmoid(gi[:, _D:2 * _D] + gh[:, _D:2 * _D])
    n = jnp.tanh(gi[:, 2 * _D:] + r * gh[:, 2 * _D:])
    return (1.0 - z) * n + z * hprev



def _gather_body(ids_ref, glove_ref, out_ref):
    del ids_ref
    out_ref[...] = glove_ref[...]


def _gather_rows(glove, ids):
    L = ids.shape[0]
    glove3 = glove.reshape(glove.shape[0], 1, _D)
    grid_spec = pltpu.PrefetchScalarGridSpec(
        num_scalar_prefetch=1,
        grid=(L,),
        in_specs=[pl.BlockSpec((1, 1, _D), lambda i, ids: (ids[i], 0, 0))],
        out_specs=pl.BlockSpec((1, 1, _D), lambda i, ids: (i, 0, 0)),
    )
    out = pl.pallas_call(
        _gather_body,
        grid_spec=grid_spec,
        out_shape=jax.ShapeDtypeStruct((L, 1, _D), _F32),
    )(ids, glove3)
    return out.reshape(L, _D)



def _title_body(emb_ref,
                w0f_ref, u0f_ref, bi0f_ref, bh0f_ref,
                w0b_ref, u0b_ref, bi0b_ref, bh0b_ref,
                w1f_ref, u1f_ref, bi1f_ref, bh1f_ref,
                w1b_ref, u1b_ref, bi1b_ref, bh1b_ref,
                title_ref,
                ysf_ref, ysb_ref, g1f_ref, g1b_ref, g0f_ref, g0b_ref):
    L = emb_ref.shape[0]
    emb = emb_ref[...]
    g0f_ref[...] = _dott(emb, w0f_ref[...]) + bi0f_ref[...]
    g0b_ref[...] = _dott(emb, w0b_ref[...]) + bi0b_ref[...]
    u0f = u0f_ref[...]
    u0b = u0b_ref[...]
    bh0f = bh0f_ref[...]
    bh0b = bh0b_ref[...]

    def loop0(k, carry):
        hf, hb = carry
        t = L - 1 - k
        hf = _gates(g0f_ref[pl.ds(k, 1), :], _dot(hf, u0f) + bh0f, hf)
        hb = _gates(g0b_ref[pl.ds(t, 1), :], _dot(hb, u0b) + bh0b, hb)
        ysf_ref[pl.ds(k, 1), :] = hf
        ysb_ref[pl.ds(t, 1), :] = hb
        return hf, hb

    z = jnp.zeros((1, _D), _F32)
    h0f, h0b = lax.fori_loop(0, L, loop0, (z, z))

    l1 = jnp.concatenate([ysf_ref[...], ysb_ref[...]], axis=1)
    g1f_ref[...] = _dott(l1, w1f_ref[...]) + bi1f_ref[...]
    g1b_ref[...] = _dott(l1, w1b_ref[...]) + bi1b_ref[...]
    u1f = u1f_ref[...]
    u1b = u1b_ref[...]
    bh1f = bh1f_ref[...]
    bh1b = bh1b_ref[...]

    def loop1(k, carry):
        hf, hb = carry
        t = L - 1 - k
        hf = _gates(g1f_ref[pl.ds(k, 1), :], _dot(hf, u1f) + bh1f, hf)
        hb = _gates(g1b_ref[pl.ds(t, 1), :], _dot(hb, u1b) + bh1b, hb)
        return hf, hb

    h1f, h1b = lax.fori_loop(0, L, loop1, (z, z))
    title_ref[...] = 0.25 * (h0f + h0b + h1f + h1b)


def _title_encode(emb, enc_params):
    L = emb.shape[0]
    flat = []
    for (wih, whh, bih, bhh) in enc_params:
        flat += [wih, whh.T, bih.reshape(1, -1), bhh.reshape(1, -1)]
    full = lambda s: pl.BlockSpec(s, lambda: (0,) * len(s))
    in_specs = [full((L, _D))]
    for (wih, whh, bih, bhh) in enc_params:
        in_specs += [full(wih.shape), full(whh.T.shape),
                     full((1, _G3)), full((1, _G3))]
    return pl.pallas_call(
        _title_body,
        grid=(),
        in_specs=in_specs,
        out_specs=full((1, _D)),
        out_shape=jax.ShapeDtypeStruct((1, _D), _F32),
        scratch_shapes=[
            pltpu.VMEM((L, _D), _F32),
            pltpu.VMEM((L, _D), _F32),
            pltpu.VMEM((L, _G3), _F32),
            pltpu.VMEM((L, _G3), _F32),
            pltpu.VMEM((L, _G3), _F32),
            pltpu.VMEM((L, _G3), _F32),
        ],
    )(emb, *flat)



_CHUNK = 1000
_NCHUNK = _N // _CHUNK


def _gates3(gi, gr, gz, gn, hprev):
    r = 0.5 + 0.5 * jnp.tanh(gi[:, :_D] + gr)
    z = 0.5 + 0.5 * jnp.tanh(gi[:, _D:2 * _D] + gz)
    n = jnp.tanh(gi[:, 2 * _D:] + r * gn)
    return n + z * (hprev - n)


def _vpu_mv(hc, u):
    p = hc.reshape(_D, 1) * u
    p = p[0:64] + p[64:128]
    p = p[0:32] + p[32:64]
    p = p[0:16] + p[16:32]
    p = p[0:8] + p[8:16]
    return jnp.sum(p, axis=0, keepdims=True)


def _nodes_body(h_ref, title_ref, w0t_ref, w0h_ref, w1t_ref, bi0_ref,
                u0_ref, u1_ref, bh0n_ref, bi1_ref, bh1n_ref,
                f_ref, hx_ref,
                gi0_ref, gi1_ref, ys0_ref, h1_ref, h2_ref, gh2_ref, tp_ref):
    c = pl.program_id(0)

    @pl.when(c == 0)
    def _init():
        h1_ref[...] = jnp.zeros((1, _D), _F32)
        h2_ref[...] = jnp.zeros((1, _D), _F32)
        tp_ref[...] = _dott(title_ref[...], w0t_ref[...]) + bi0_ref[...]

    gi0_ref[...] = _dott_fast(h_ref[...], w0h_ref[...]) + tp_ref[...]

    u0 = u0_ref[...]
    u1 = u1_ref[...]
    bh0n = bh0n_ref[...]
    bh1n = bh1n_ref[...]

    h1p = h1_ref[...]
    h2p = h2_ref[...]
    gh2p0 = gh2_ref[...]

    def step(t, carry):
        h1c, h2c, gh2p = carry
        h2n = _gates3(gi1_ref[pl.ds(t, 1), :], gh2p[:, :_D],
                      gh2p[:, _D:2 * _D], gh2p[:, 2 * _D:] + bh1n, h2c)
        gh1 = _vpu_mv(h1c, u0)
        h1n = _gates3(gi0_ref[pl.ds(t, 1), :], gh1[:, :_D],
                      gh1[:, _D:2 * _D], gh1[:, 2 * _D:] + bh0n, h1c)
        gh2n = _vpu_mv(h2n, u1)
        ys0_ref[pl.ds(t, 1), :] = h1n
        f_ref[pl.ds(t, 1), :] = h2n
        return h1n, h2n, gh2n

    h1c, h2c, gh2c = lax.fori_loop(0, _CHUNK, step, (h1p, h2p, gh2p0),
                                   unroll=8)

    gi1_ref[...] = _dott_fast(ys0_ref[...], w1t_ref[...]) + bi1_ref[...]

    h1_ref[...] = h1c
    h2_ref[...] = jnp.where(c == 0, jnp.zeros((1, _D), _F32), h2c)
    gh2_ref[...] = jnp.where(c == 0, jnp.zeros((1, _G3), _F32), gh2c)

    @pl.when(c == _NCHUNK)
    def _fin():
        hx_ref[...] = jnp.concatenate([h1p, h2c], axis=0)


def _nodes_scan(h, title, rnn_params):
    (wih0, whh0, bih0, bhh0), (wih1, whh1, bih1, bhh1) = rnn_params
    rz = jnp.concatenate([jnp.full((2 * _D,), 0.5, _F32),
                          jnp.ones((_D,), _F32)])
    w0t = wih0[:, :_D] * rz[:, None]
    w0h = wih0[:, _D:] * rz[:, None]
    w1s = wih1 * rz[:, None]
    u0 = whh0.T * rz[None, :]
    u1 = whh1.T * rz[None, :]
    zpad = jnp.zeros((_D,), _F32)
    bi0f = (bih0 + jnp.concatenate([bhh0[:2 * _D], zpad])) * rz
    bi1f = (bih1 + jnp.concatenate([bhh1[:2 * _D], zpad])) * rz
    bh0n = bhh0[2 * _D:].reshape(1, _D)
    bh1n = bhh1[2 * _D:].reshape(1, _D)

    full = lambda s: pl.BlockSpec(s, lambda c: (0,) * len(s))
    f, hx = pl.pallas_call(
        _nodes_body,
        grid=(_NCHUNK + 1,),
        in_specs=[
            pl.BlockSpec((_CHUNK, _D),
                         lambda c: (jnp.minimum(c, _NCHUNK - 1), 0)),
            full((1, _D)),
            full((_G3, _D)),
            full((_G3, _D)),
            full((_G3, _D)),
            full((1, _G3)),
            full((_D, _G3)),
            full((_D, _G3)),
            full((1, _D)),
            full((1, _G3)),
            full((1, _D)),
        ],
        out_specs=[
            pl.BlockSpec((_CHUNK, _D),
                         lambda c: (jnp.maximum(c - 1, 0), 0)),
            full((2, _D)),
        ],
        out_shape=[
            jax.ShapeDtypeStruct((_N, _D), _F32),
            jax.ShapeDtypeStruct((2, _D), _F32),
        ],
        scratch_shapes=[
            pltpu.VMEM((_CHUNK, _G3), _F32),
            pltpu.VMEM((_CHUNK, _G3), _F32),
            pltpu.VMEM((_CHUNK, _D), _F32),
            pltpu.VMEM((1, _D), _F32),
            pltpu.VMEM((1, _D), _F32),
            pltpu.VMEM((1, _G3), _F32),
            pltpu.VMEM((1, _G3), _F32),
        ],
        compiler_params=pltpu.CompilerParams(
            dimension_semantics=("arbitrary",),
        ),
    )(h, title, w0t, w0h, w1s, bi0f.reshape(1, -1), u0, u1,
      bh0n, bi1f.reshape(1, -1), bh1n)
    return f, hx



_NW = 16
_EW = _E // _NW
_NPAD = 10240
_SL = _NPAD // _NW
_VL = 16


def _edge_body(src_hbm, dst_hbm, sid_hbm, out_hbm,
               src_v, dst_v, cnt_v, tmp_v, acc_v, invs_v, invf_v, pred_v,
               sid_v, part_sh, inv_sh):
    cid = lax.axis_index("c")

    @pl.when(cid == 0)
    def _run():
        w = lax.axis_index("s")
        base = w * _EW
        pltpu.sync_copy(sid_hbm, sid_v)
        pltpu.sync_copy(src_hbm.at[pl.ds(base, _EW)], src_v)
        pltpu.sync_copy(dst_hbm.at[pl.ds(base, _EW)], dst_v)
        s0 = sid_v[...]

        zi = jnp.zeros((_VL,), jnp.int32)

        def zbody(i, carry):
            cnt_v[pl.ds(i * _VL, _VL)] = zi
            return carry

        lax.fori_loop(0, _NPAD // _VL, zbody, 0)

        ones = jnp.ones((_VL,), jnp.int32)

        def hbody(i, carry):
            s = src_v[pl.ds(i * _VL, _VL)]
            d = dst_v[pl.ds(i * _VL, _VL)]
            plsc.addupdate_scatter(cnt_v, [d], ones, mask=s == s0)
            return carry

        lax.fori_loop(0, _EW // _VL, hbody, 0)

        pltpu.sync_copy(cnt_v, part_sh.at[w])
        plsc.subcore_barrier()

        colbase = w * _SL
        pltpu.sync_copy(part_sh.at[0, pl.ds(colbase, _SL)], acc_v)

        def rbody(j, carry):
            pltpu.sync_copy(part_sh.at[j, pl.ds(colbase, _SL)], tmp_v)

            def abody(i, c2):
                sl = pl.ds(i * _VL, _VL)
                acc_v[sl] = acc_v[sl] + tmp_v[sl]
                return c2

            lax.fori_loop(0, _SL // _VL, abody, 0)
            return carry

        lax.fori_loop(1, _NW, rbody, 0)

        def ibody(i, carry):
            sl = pl.ds(i * _VL, _VL)
            invs_v[sl] = 1.0 / acc_v[sl].astype(_F32)
            return carry

        lax.fori_loop(0, _SL // _VL, ibody, 0)

        pltpu.sync_copy(invs_v, inv_sh.at[pl.ds(colbase, _SL)])
        plsc.subcore_barrier()
        pltpu.sync_copy(inv_sh, invf_v)

        zf = jnp.zeros((_VL,), _F32)

        def pbody(i, carry):
            sl = pl.ds(i * _VL, _VL)
            s = src_v[sl]
            d = dst_v[sl]
            vals = plsc.load_gather(invf_v, [d])
            pred_v[sl] = jnp.where(s == s0, vals, zf)
            return carry

        lax.fori_loop(0, _EW // _VL, pbody, 0)
        pltpu.sync_copy(pred_v, out_hbm.at[pl.ds(base, _EW)])


def _edge_softmax(src, dst, sid16):
    mesh = plsc.VectorSubcoreMesh(core_axis_name="c", subcore_axis_name="s")
    run = pl.kernel(
        _edge_body,
        out_type=jax.ShapeDtypeStruct((_E,), _F32),
        mesh=mesh,
        scratch_types=[
            pltpu.VMEM((_EW,), jnp.int32),
            pltpu.VMEM((_EW,), jnp.int32),
            pltpu.VMEM((_NPAD,), jnp.int32),
            pltpu.VMEM((_SL,), jnp.int32),
            pltpu.VMEM((_SL,), jnp.int32),
            pltpu.VMEM((_SL,), _F32),
            pltpu.VMEM((_NPAD,), _F32),
            pltpu.VMEM((_EW,), _F32),
            pltpu.VMEM((_VL,), jnp.int32),
            pltpu.VMEM_SHARED((_NW, _NPAD), jnp.int32),
            pltpu.VMEM_SHARED((_NPAD,), _F32),
        ],
        compiler_params=pltpu.CompilerParams(needs_layout_passes=False),
    )
    return run(src, dst, sid16)



def kernel(h, edge_index, title_src, src_node_id, glove, enc_params, rnn_params):
    emb = _gather_rows(glove, title_src)
    title = _title_encode(emb, enc_params)
    f, hx = _nodes_scan(h, title, rnn_params)
    sid16 = jnp.full((_VL,), src_node_id, jnp.int32)
    pred = _edge_softmax(edge_index[0], edge_index[1], sid16)
    return pred, hx, f

# --- scband reference (transcript-rebuilt; emitter-appended) ---
"""Pipeline reference for scband-planner-42588895707226 (READ-ONLY COPY).

The authoritative reference and input builder live on the scoring server;
editing this copy changes nothing except your own understanding.
"""

import jax, jax.numpy as jnp
import numpy as np

N_NODES = 10000
E_EDGES = 160000
D_FEAT = 128
GLOVE_DIM = 128
OUT_DIM = 128
VOCAB = 100000
TITLE_LEN = 50


def _gru_params(key, input_size, hidden_size, scale=0.05):
    k1, k2, k3, k4 = jax.random.split(key, 4)
    Wih = jax.random.normal(k1, (3 * hidden_size, input_size), jnp.float32) * scale
    Whh = jax.random.normal(k2, (3 * hidden_size, hidden_size), jnp.float32) * scale
    bih = jax.random.normal(k3, (3 * hidden_size,), jnp.float32) * scale
    bhh = jax.random.normal(k4, (3 * hidden_size,), jnp.float32) * scale
    return (Wih, Whh, bih, bhh)


def _gru_cell(x, hprev, params):
    # PyTorch GRU cell convention, gate order [r, z, n]
    Wih, Whh, bih, bhh = params
    gi = x @ Wih.T + bih
    gh = hprev @ Whh.T + bhh
    ir, iz, inn = jnp.split(gi, 3, axis=-1)
    hr, hz, hn = jnp.split(gh, 3, axis=-1)
    r = jax.nn.sigmoid(ir + hr)
    z = jax.nn.sigmoid(iz + hz)
    n = jnp.tanh(inn + r * hn)
    return (1.0 - z) * n + z * hprev


def _gru_layer(xs, params, reverse=False):
    H = params[1].shape[1]
    h0 = jnp.zeros((H,), xs.dtype)

    def step(h, x):
        h2 = _gru_cell(x, h, params)
        return h2, h2

    hT, ys = jax.lax.scan(step, h0, xs, reverse=reverse)
    return ys, hT


def _forward(h, glove, enc_params, rnn_params, edge_index, title_src, src_node_id):
    # title = mean of all final hidden states of 2-layer bidirectional GRU over glove embeddings (batch=1)
    emb = glove[title_src]  # [L, glove_dim]
    ys_f, h0f = _gru_layer(emb, enc_params[0], reverse=False)
    ys_b, h0b = _gru_layer(emb, enc_params[1], reverse=True)
    l1_in = jnp.concatenate([ys_f, ys_b], axis=-1)
    _, h1f = _gru_layer(l1_in, enc_params[2], reverse=False)
    _, h1b = _gru_layer(l1_in, enc_params[3], reverse=True)
    title = jnp.mean(jnp.stack([h0f, h0b, h1f, h1b], axis=0), axis=0)  # [glove_dim]

    # cat_feat = [title || h_i] for every node; rnn runs over nodes as a length-N sequence (batch=1)
    cat_feat = jnp.concatenate(
        [jnp.broadcast_to(title, (h.shape[0], title.shape[0])), h], axis=-1
    )
    ys0, hx0 = _gru_layer(cat_feat, rnn_params[0])
    f, hx1 = _gru_layer(ys0, rnn_params[1])  # [N, out_dim]
    hx = jnp.stack([hx0, hx1], axis=0)  # [2, out_dim]
    p = f  # graph.ndata['p']

    # selection(): out-edges of src_node_id; prob = u_mul_v(p, p) reduced to scalar (dot);
    # edge_softmax grouped by destination node over the out-edge subgraph.
    src = edge_index[0]
    dst = edge_index[1]
    mask = src == src_node_id
    scores = jnp.sum(p[src] * p[dst], axis=-1)  # [E]
    NEG = -1e30
    ms = jnp.where(mask, scores, NEG)
    nseg = h.shape[0]
    seg_max = jax.ops.segment_max(ms, dst, num_segments=nseg)
    seg_max = jnp.where(seg_max < -1e29, 0.0, seg_max)
    ex = jnp.where(mask, jnp.exp(ms - seg_max[dst]), 0.0)
    denom = jax.ops.segment_sum(ex, dst, num_segments=nseg)
    route = jnp.where(mask, ex / jnp.maximum(denom[dst], 1e-30), 0.0)
    pred = route  # [E]; zeros on non-selected edges, like pred[i] = sg.edata['route'][i]
    return pred, hx, p


def setup_inputs(seed: int = 0) -> dict:
    key = jax.random.key(seed)
    ks = jax.random.split(key, 12)
    h = jax.random.normal(ks[0], (N_NODES, D_FEAT), jnp.float32)
    edge_index = jax.random.randint(ks[1], (2, E_EDGES), 0, N_NODES, jnp.int32)
    title_src = jax.random.randint(ks[2], (TITLE_LEN,), 0, VOCAB, jnp.int32)
    src_node_id = 0
    glove = jax.random.normal(ks[3], (VOCAB, GLOVE_DIM), jnp.float32) * 0.1
    enc_params = [
        _gru_params(ks[4], GLOVE_DIM, GLOVE_DIM),
        _gru_params(ks[5], GLOVE_DIM, GLOVE_DIM),
        _gru_params(ks[6], 2 * GLOVE_DIM, GLOVE_DIM),
        _gru_params(ks[7], 2 * GLOVE_DIM, GLOVE_DIM),
    ]
    rnn_params = [
        _gru_params(ks[8], D_FEAT + GLOVE_DIM, OUT_DIM),
        _gru_params(ks[9], OUT_DIM, OUT_DIM),
    ]
    return {
        "h": h,
        "edge_index": edge_index,
        "title_src": title_src,
        "src_node_id": src_node_id,
        "glove": glove,
        "enc_params": enc_params,
        "rnn_params": rnn_params,
    }


def reference(h, edge_index, title_src, src_node_id, glove, enc_params, rnn_params):
    return _forward(h, glove, enc_params, rnn_params, edge_index, title_src, src_node_id)

if __name__ == "__main__":
    import jax
    _d = setup_inputs()
    print(jax.jit(kernel)(*tuple(_d.values())))

</pallas_src>

<mosaic_0001>
#map = affine_map<(d0, d1) -> (0)>
module attributes {stable_mosaic.version = 14 : i64} {
  func.func @_edge_body(%arg0: i32, %arg1: i32, %arg2: memref<160000xi32, #tpu.memory_space<hbm>>, %arg3: memref<160000xi32, #tpu.memory_space<hbm>>, %arg4: memref<16xi32, #tpu.memory_space<hbm>>, %arg5: memref<160000xf32, #tpu.memory_space<hbm>>, %arg6: memref<10000xi32, #tpu.memory_space<vmem>>, %arg7: memref<10000xi32, #tpu.memory_space<vmem>>, %arg8: memref<10240xi32, #tpu.memory_space<vmem>>, %arg9: memref<640xi32, #tpu.memory_space<vmem>>, %arg10: memref<640xi32, #tpu.memory_space<vmem>>, %arg11: memref<640xf32, #tpu.memory_space<vmem>>, %arg12: memref<10240xf32, #tpu.memory_space<vmem>>, %arg13: memref<10000xf32, #tpu.memory_space<vmem>>, %arg14: memref<16xi32, #tpu.memory_space<vmem>>, %arg15: memref<16x10240xi32, #tpu.memory_space<vmem_shared>>, %arg16: memref<10240xf32, #tpu.memory_space<vmem_shared>>) attributes {dimension_semantics = [#tpu.dimension_semantics<core_parallel>, #tpu.dimension_semantics<subcore_parallel>], iteration_bounds = array<i64: 2, 16>, scalar_prefetch = 0 : i64, scratch_operands = 11 : i64, tpu.core_type = #tpu.core_type<sc_vector_subcore>, window_params = [{transform_indices = #map}, {transform_indices = #map}, {transform_indices = #map}, {transform_indices = #map}]} {
    %eq3A = arith.constant 0 : i32
    %eq3A_0 = arith.cmpi eq, %arg0, %eq3A : i32
    %convert_element_type3A = arith.extui %eq3A_0 : i1 to i32
    %cond3A = arith.constant 0 : i32
    %cond3A_1 = arith.cmpi ne, %convert_element_type3A, %cond3A : i32
    scf.if %cond3A_1 {
      %mul3A = arith.constant 10000 : i32
      %mul3A_2 = arith.muli %arg1, %mul3A : i32
      "tpu.region"() ({
        %run_scoped3A_41 = tpu.sem_alloc : memref<!tpu.dma_semaphore, #tpu.memory_space<semaphore_mem>>
        tpu.enqueue_dma source(%arg4 : memref<16xi32, #tpu.memory_space<hbm>>) target(%arg14 : memref<16xi32, #tpu.memory_space<vmem>>) target_semaphore(%run_scoped3A_41 : memref<!tpu.dma_semaphore, #tpu.memory_space<semaphore_mem>>)
        tpu.wait_dma2 semaphore(%run_scoped3A_41 : memref<!tpu.dma_semaphore, #tpu.memory_space<semaphore_mem>>) src(%arg4 : memref<16xi32, #tpu.memory_space<hbm>>) dst(%arg14 : memref<16xi32, #tpu.memory_space<vmem>>)
        tpu.yield
      }) : () -> ()
      "tpu.region"() ({
        %run_scoped3A_41 = tpu.sem_alloc : memref<!tpu.dma_semaphore, #tpu.memory_space<semaphore_mem>>
        %dma_start3A = tpu.memref_slice %arg2[%mul3A_2] : memref<160000xi32, #tpu.memory_space<hbm>> -> memref<10000xi32, #tpu.memory_space<hbm>>
        %dma_start3A_42 = tpu.memref_slice %arg2[%mul3A_2] : memref<160000xi32, #tpu.memory_space<hbm>> -> memref<10000xi32, #tpu.memory_space<hbm>>
        tpu.enqueue_dma source(%dma_start3A_42 : memref<10000xi32, #tpu.memory_space<hbm>>) target(%arg6 : memref<10000xi32, #tpu.memory_space<vmem>>) target_semaphore(%run_scoped3A_41 : memref<!tpu.dma_semaphore, #tpu.memory_space<semaphore_mem>>)
        %dma_wait3A = tpu.memref_slice %arg2[%mul3A_2] : memref<160000xi32, #tpu.memory_space<hbm>> -> memref<10000xi32, #tpu.memory_space<hbm>>
        %dma_wait3A_43 = tpu.memref_slice %arg2[%mul3A_2] : memref<160000xi32, #tpu.memory_space<hbm>> -> memref<10000xi32, #tpu.memory_space<hbm>>
        tpu.wait_dma2 semaphore(%run_scoped3A_41 : memref<!tpu.dma_semaphore, #tpu.memory_space<semaphore_mem>>) src(%dma_wait3A_43 : memref<10000xi32, #tpu.memory_space<hbm>>) dst(%arg6 : memref<10000xi32, #tpu.memory_space<vmem>>)
        tpu.yield
      }) : () -> ()
      "tpu.region"() ({
        %run_scoped3A_41 = tpu.sem_alloc : memref<!tpu.dma_semaphore, #tpu.memory_space<semaphore_mem>>
        %dma_start3A = tpu.memref_slice %arg3[%mul3A_2] : memref<160000xi32, #tpu.memory_space<hbm>> -> memref<10000xi32, #tpu.memory_space<hbm>>
        %dma_start3A_42 = tpu.memref_slice %arg3[%mul3A_2] : memref<160000xi32, #tpu.memory_space<hbm>> -> memref<10000xi32, #tpu.memory_space<hbm>>
        tpu.enqueue_dma source(%dma_start3A_42 : memref<10000xi32, #tpu.memory_space<hbm>>) target(%arg7 : memref<10000xi32, #tpu.memory_space<vmem>>) target_semaphore(%run_scoped3A_41 : memref<!tpu.dma_semaphore, #tpu.memory_space<semaphore_mem>>)
        %dma_wait3A = tpu.memref_slice %arg3[%mul3A_2] : memref<160000xi32, #tpu.memory_space<hbm>> -> memref<10000xi32, #tpu.memory_space<hbm>>
        %dma_wait3A_43 = tpu.memref_slice %arg3[%mul3A_2] : memref<160000xi32, #tpu.memory_space<hbm>> -> memref<10000xi32, #tpu.memory_space<hbm>>
        tpu.wait_dma2 semaphore(%run_scoped3A_41 : memref<!tpu.dma_semaphore, #tpu.memory_space<semaphore_mem>>) src(%dma_wait3A_43 : memref<10000xi32, #tpu.memory_space<hbm>>) dst(%arg7 : memref<10000xi32, #tpu.memory_space<vmem>>)
        tpu.yield
      }) : () -> ()
      %get3A = arith.constant 0 : index
      %get3A_3 = tpu.vector_load %arg14[%get3A] {strides = array<i32>} : memref<16xi32, #tpu.memory_space<vmem>>, vector<16xi32>,
      %broadcast_in_dim3A = arith.constant 0 : i32
      %broadcast_in_dim3A_4 = vector.broadcast %broadcast_in_dim3A : i32 to vector<16xi32>
      %scan3A = arith.constant 0 : i32
      %scan3A_5 = arith.constant 0 : i32
      %scan3A_6 = arith.constant 640 : i32
      %scan3A_7 = arith.addi %scan3A_5, %scan3A_6 : i32
      %scan3A_8 = arith.constant 1 : i32
      scf.for %scan3A_41 = %scan3A_5 to %scan3A_7 step %scan3A_8  : i32 {
        %mul3A_42 = arith.constant 16 : i32
        %mul3A_43 = arith.muli %scan3A_41, %mul3A_42 : i32
        %swap3A = arith.index_cast %mul3A_43 : i32 to index
        %swap3A_44 = tpu.vector_load %arg8[%swap3A] {strides = array<i32>} : memref<10240xi32, #tpu.memory_space<vmem>>, vector<16xi32>,
        tpu.vector_store %arg8[%swap3A], %broadcast_in_dim3A_4 {strides = array<i32>} : memref<10240xi32, #tpu.memory_space<vmem>>, vector<16xi32>,
      }
      %scan3A_9 = arith.constant 640 : i32
      %broadcast_in_dim3A_10 = arith.constant 1 : i32
      %broadcast_in_dim3A_11 = vector.broadcast %broadcast_in_dim3A_10 : i32 to vector<16xi32>
      %scan3A_12 = arith.constant 0 : i32
      %scan3A_13 = arith.constant 0 : i32
      %scan3A_14 = arith.constant 625 : i32
      %scan3A_15 = arith.addi %scan3A_13, %scan3A_14 : i32
      %scan3A_16 = arith.constant 1 : i32
      scf.for %scan3A_41 = %scan3A_13 to %scan3A_15 step %scan3A_16  : i32 {
        %mul3A_42 = arith.constant 16 : i32
        %mul3A_43 = arith.muli %scan3A_41, %mul3A_42 : i32
        %get3A_44 = arith.index_cast %mul3A_43 : i32 to index
        %get3A_45 = tpu.vector_load %arg6[%get3A_44] {strides = array<i32>} : memref<10000xi32, #tpu.memory_space<vmem>>, vector<16xi32>,
        %mul3A_46 = arith.constant 16 : i32
        %mul3A_47 = arith.muli %scan3A_41, %mul3A_46 : i32
        %get3A_48 = arith.index_cast %mul3A_47 : i32 to index
        %get3A_49 = tpu.vector_load %arg7[%get3A_48] {strides = array<i32>} : memref<10000xi32, #tpu.memory_space<vmem>>, vector<16xi32>,
        %eq3A_50 = arith.cmpi eq, %get3A_45, %get3A_3 : vector<16xi32>
        tpu.vector_store_idx %arg8[%get3A_49], %broadcast_in_dim3A_11 masked %eq3A_50 {add = true} : memref<10240xi32, #tpu.memory_space<vmem>>[vector<16xi32>], vector<16xi32>, vector<16xi1>
      }
      %scan3A_17 = arith.constant 625 : i32
      "tpu.region"() ({
        %run_scoped3A_41 = tpu.sem_alloc : memref<!tpu.dma_semaphore, #tpu.memory_space<semaphore_mem>>
        %dma_start3A = arith.constant 0 : i32
        %dma_start3A_42 = tpu.memref_slice %arg15[%arg1, %dma_start3A] : memref<16x10240xi32, #tpu.memory_space<vmem_shared>> -> memref<1x10240xi32, #tpu.memory_space<vmem_shared>>
        %dma_start3A_43 = tpu.memref_squeeze %dma_start3A_42 : memref<1x10240xi32, #tpu.memory_space<vmem_shared>> -> memref<10240xi32, #tpu.memory_space<vmem_shared>>
        %dma_start3A_44 = arith.constant 0 : i32
        %dma_start3A_45 = tpu.memref_slice %arg15[%arg1, %dma_start3A_44] : memref<16x10240xi32, #tpu.memory_space<vmem_shared>> -> memref<1x10240xi32, #tpu.memory_space<vmem_shared>>
        %dma_start3A_46 = tpu.memref_squeeze %dma_start3A_45 : memref<1x10240xi32, #tpu.memory_space<vmem_shared>> -> memref<10240xi32, #tpu.memory_space<vmem_shared>>
        tpu.enqueue_dma source(%arg8 : memref<10240xi32, #tpu.memory_space<vmem>>) target(%dma_start3A_46 : memref<10240xi32, #tpu.memory_space<vmem_shared>>) target_semaphore(%run_scoped3A_41 : memref<!tpu.dma_semaphore, #tpu.memory_space<semaphore_mem>>)
        %dma_wait3A = arith.constant 0 : i32
        %dma_wait3A_47 = tpu.memref_slice %arg15[%arg1, %dma_wait3A] : memref<16x10240xi32, #tpu.memory_space<vmem_shared>> -> memref<1x10240xi32, #tpu.memory_space<vmem_shared>>
        %dma_wait3A_48 = tpu.memref_squeeze %dma_wait3A_47 : memref<1x10240xi32, #tpu.memory_space<vmem_shared>> -> memref<10240xi32, #tpu.memory_space<vmem_shared>>
        %dma_wait3A_49 = arith.constant 0 : i32
        %dma_wait3A_50 = tpu.memref_slice %arg15[%arg1, %dma_wait3A_49] : memref<16x10240xi32, #tpu.memory_space<vmem_shared>> -> memref<1x10240xi32, #tpu.memory_space<vmem_shared>>
        %dma_wait3A_51 = tpu.memref_squeeze %dma_wait3A_50 : memref<1x10240xi32, #tpu.memory_space<vmem_shared>> -> memref<10240xi32, #tpu.memory_space<vmem_shared>>
        tpu.wait_dma2 semaphore(%run_scoped3A_41 : memref<!tpu.dma_semaphore, #tpu.memory_space<semaphore_mem>>) src(%arg8 : memref<10240xi32, #tpu.memory_space<vmem>>) dst(%dma_wait3A_51 : memref<10240xi32, #tpu.memory_space<vmem_shared>>)
        tpu.yield
      }) : () -> ()
      %barrier3A = arith.constant 0 : index
      tpu.barrier barrier_id(%barrier3A)
      %mul3A_18 = arith.constant 640 : i32
      %mul3A_19 = arith.muli %arg1, %mul3A_18 : i32
      %run_scoped3A = arith.constant 0 : i32
      "tpu.region"() ({
        %run_scoped3A_41 = tpu.sem_alloc : memref<!tpu.dma_semaphore, #tpu.memory_space<semaphore_mem>>
        %dma_start3A = tpu.memref_slice %arg15[%run_scoped3A, %mul3A_19] : memref<16x10240xi32, #tpu.memory_space<vmem_shared>> -> memref<1x640xi32, #tpu.memory_space<vmem_shared>>
        %dma_start3A_42 = tpu.memref_squeeze %dma_start3A : memref<1x640xi32, #tpu.memory_space<vmem_shared>> -> memref<640xi32, #tpu.memory_space<vmem_shared>>
        %dma_start3A_43 = tpu.memref_slice %arg15[%run_scoped3A, %mul3A_19] : memref<16x10240xi32, #tpu.memory_space<vmem_shared>> -> memref<1x640xi32, #tpu.memory_space<vmem_shared>>
        %dma_start3A_44 = tpu.memref_squeeze %dma_start3A_43 : memref<1x640xi32, #tpu.memory_space<vmem_shared>> -> memref<640xi32, #tpu.memory_space<vmem_shared>>
        tpu.enqueue_dma source(%dma_start3A_44 : memref<640xi32, #tpu.memory_space<vmem_shared>>) target(%arg10 : memref<640xi32, #tpu.memory_space<vmem>>) target_semaphore(%run_scoped3A_41 : memref<!tpu.dma_semaphore, #tpu.memory_space<semaphore_mem>>)
        %dma_wait3A = tpu.memref_slice %arg15[%run_scoped3A, %mul3A_19] : memref<16x10240xi32, #tpu.memory_space<vmem_shared>> -> memref<1x640xi32, #tpu.memory_space<vmem_shared>>
        %dma_wait3A_45 = tpu.memref_squeeze %dma_wait3A : memref<1x640xi32, #tpu.memory_space<vmem_shared>> -> memref<640xi32, #tpu.memory_space<vmem_shared>>
        %dma_wait3A_46 = tpu.memref_slice %arg15[%run_scoped3A, %mul3A_19] : memref<16x10240xi32, #tpu.memory_space<vmem_shared>> -> memref<1x640xi32, #tpu.memory_space<vmem_shared>>
        %dma_wait3A_47 = tpu.memref_squeeze %dma_wait3A_46 : memref<1x640xi32, #tpu.memory_space<vmem_shared>> -> memref<640xi32, #tpu.memory_space<vmem_shared>>
        tpu.wait_dma2 semaphore(%run_scoped3A_41 : memref<!tpu.dma_semaphore, #tpu.memory_space<semaphore_mem>>) src(%dma_wait3A_47 : memref<640xi32, #tpu.memory_space<vmem_shared>>) dst(%arg10 : memref<640xi32, #tpu.memory_space<vmem>>)
        tpu.yield
      }) : () -> ()
      %scan3A_20 = arith.constant 0 : i32
      %scan3A_21 = arith.constant 1 : i32
      %scan3A_22 = arith.constant 15 : i32
      %scan3A_23 = arith.addi %scan3A_21, %scan3A_22 : i32
      %scan3A_24 = arith.constant 1 : i32
      scf.for %scan3A_41 = %scan3A_21 to %scan3A_23 step %scan3A_24  : i32 {
        "tpu.region"() ({
          %run_scoped3A_48 = tpu.sem_alloc : memref<!tpu.dma_semaphore, #tpu.memory_space<semaphore_mem>>
          %dma_start3A = tpu.memref_slice %arg15[%scan3A_41, %mul3A_19] : memref<16x10240xi32, #tpu.memory_space<vmem_shared>> -> memref<1x640xi32, #tpu.memory_space<vmem_shared>>
          %dma_start3A_49 = tpu.memref_squeeze %dma_start3A : memref<1x640xi32, #tpu.memory_space<vmem_shared>> -> memref<640xi32, #tpu.memory_space<vmem_shared>>
          %dma_start3A_50 = tpu.memref_slice %arg15[%scan3A_41, %mul3A_19] : memref<16x10240xi32, #tpu.memory_space<vmem_shared>> -> memref<1x640xi32, #tpu.memory_space<vmem_shared>>
          %dma_start3A_51 = tpu.memref_squeeze %dma_start3A_50 : memref<1x640xi32, #tpu.memory_space<vmem_shared>> -> memref<640xi32, #tpu.memory_space<vmem_shared>>
          tpu.enqueue_dma source(%dma_start3A_51 : memref<640xi32, #tpu.memory_space<vmem_shared>>) target(%arg9 : memref<640xi32, #tpu.memory_space<vmem>>) target_semaphore(%run_scoped3A_48 : memref<!tpu.dma_semaphore, #tpu.memory_space<semaphore_mem>>)
          %dma_wait3A = tpu.memref_slice %arg15[%scan3A_41, %mul3A_19] : memref<16x10240xi32, #tpu.memory_space<vmem_shared>> -> memref<1x640xi32, #tpu.memory_space<vmem_shared>>
          %dma_wait3A_52 = tpu.memref_squeeze %dma_wait3A : memref<1x640xi32, #tpu.memory_space<vmem_shared>> -> memref<640xi32, #tpu.memory_space<vmem_shared>>
          %dma_wait3A_53 = tpu.memref_slice %arg15[%scan3A_41, %mul3A_19] : memref<16x10240xi32, #tpu.memory_space<vmem_shared>> -> memref<1x640xi32, #tpu.memory_space<vmem_shared>>
          %dma_wait3A_54 = tpu.memref_squeeze %dma_wait3A_53 : memref<1x640xi32, #tpu.memory_space<vmem_shared>> -> memref<640xi32, #tpu.memory_space<vmem_shared>>
          tpu.wait_dma2 semaphore(%run_scoped3A_48 : memref<!tpu.dma_semaphore, #tpu.memory_space<semaphore_mem>>) src(%dma_wait3A_54 : memref<640xi32, #tpu.memory_space<vmem_shared>>) dst(%arg9 : memref<640xi32, #tpu.memory_space<vmem>>)
          tpu.yield
        }) : () -> ()
        %scan3A_42 = arith.constant 0 : i32
        %scan3A_43 = arith.constant 0 : i32
        %scan3A_44 = arith.constant 40 : i32
        %scan3A_45 = arith.addi %scan3A_43, %scan3A_44 : i32
        %scan3A_46 = arith.constant 1 : i32
        scf.for %scan3A_48 = %scan3A_43 to %scan3A_45 step %scan3A_46  : i32 {
          %mul3A_49 = arith.constant 16 : i32
          %mul3A_50 = arith.muli %scan3A_48, %mul3A_49 : i32
          %get3A_51 = arith.index_cast %mul3A_50 : i32 to index
          %get3A_52 = tpu.vector_load %arg10[%get3A_51] {strides = array<i32>} : memref<640xi32, #tpu.memory_space<vmem>>, vector<16xi32>,
          %get3A_53 = arith.index_cast %mul3A_50 : i32 to index
          %get3A_54 = tpu.vector_load %arg9[%get3A_53] {strides = array<i32>} : memref<640xi32, #tpu.memory_space<vmem>>, vector<16xi32>,
          %add3A = arith.addi %get3A_52, %get3A_54 : vector<16xi32>
          %swap3A = arith.index_cast %mul3A_50 : i32 to index
          %swap3A_55 = tpu.vector_load %arg10[%swap3A] {strides = array<i32>} : memref<640xi32, #tpu.memory_space<vmem>>, vector<16xi32>,
          tpu.vector_store %arg10[%swap3A], %add3A {strides = array<i32>} : memref<640xi32, #tpu.memory_space<vmem>>, vector<16xi32>,
        }
        %scan3A_47 = arith.constant 40 : i32
      }
      %scan3A_25 = arith.constant 15 : i32
      %scan3A_26 = arith.constant 0 : i32
      %scan3A_27 = arith.constant 0 : i32
      %scan3A_28 = arith.constant 40 : i32
      %scan3A_29 = arith.addi %scan3A_27, %scan3A_28 : i32
      %scan3A_30 = arith.constant 1 : i32
      scf.for %scan3A_41 = %scan3A_27 to %scan3A_29 step %scan3A_30  : i32 {
        %mul3A_42 = arith.constant 16 : i32
        %mul3A_43 = arith.muli %scan3A_41, %mul3A_42 : i32
        %get3A_44 = arith.index_cast %mul3A_43 : i32 to index
        %get3A_45 = tpu.vector_load %arg10[%get3A_44] {strides = array<i32>} : memref<640xi32, #tpu.memory_space<vmem>>, vector<16xi32>,
        %convert_element_type3A_46 = arith.sitofp %get3A_45 : vector<16xi32> to vector<16xf32>
        %div3A = arith.constant 1.000000e+00 : f32
        %div3A_47 = vector.broadcast %div3A : f32 to vector<16xf32>
        %div3A_48 = arith.divf %div3A_47, %convert_element_type3A_46 : vector<16xf32>
        %swap3A = arith.index_cast %mul3A_43 : i32 to index
        %swap3A_49 = tpu.vector_load %arg11[%swap3A] {strides = array<i32>} : memref<640xf32, #tpu.memory_space<vmem>>, vector<16xf32>,
        tpu.vector_store %arg11[%swap3A], %div3A_48 {strides = array<i32>} : memref<640xf32, #tpu.memory_space<vmem>>, vector<16xf32>,
      }
      %scan3A_31 = arith.constant 40 : i32
      "tpu.region"() ({
        %run_scoped3A_41 = tpu.sem_alloc : memref<!tpu.dma_semaphore, #tpu.memory_space<semaphore_mem>>
        %dma_start3A = tpu.memref_slice %arg16[%mul3A_19] : memref<10240xf32, #tpu.memory_space<vmem_shared>> -> memref<640xf32, #tpu.memory_space<vmem_shared>>
        %dma_start3A_42 = tpu.memref_slice %arg16[%mul3A_19] : memref<10240xf32, #tpu.memory_space<vmem_shared>> -> memref<640xf32, #tpu.memory_space<vmem_shared>>
        tpu.enqueue_dma source(%arg11 : memref<640xf32, #tpu.memory_space<vmem>>) target(%dma_start3A_42 : memref<640xf32, #tpu.memory_space<vmem_shared>>) target_semaphore(%run_scoped3A_41 : memref<!tpu.dma_semaphore, #tpu.memory_space<semaphore_mem>>)
        %dma_wait3A = tpu.memref_slice %arg16[%mul3A_19] : memref<10240xf32, #tpu.memory_space<vmem_shared>> -> memref<640xf32, #tpu.memory_space<vmem_shared>>
        %dma_wait3A_43 = tpu.memref_slice %arg16[%mul3A_19] : memref<10240xf32, #tpu.memory_space<vmem_shared>> -> memref<640xf32, #tpu.memory_space<vmem_shared>>
        tpu.wait_dma2 semaphore(%run_scoped3A_41 : memref<!tpu.dma_semaphore, #tpu.memory_space<semaphore_mem>>) src(%arg11 : memref<640xf32, #tpu.memory_space<vmem>>) dst(%dma_wait3A_43 : memref<640xf32, #tpu.memory_space<vmem_shared>>)
        tpu.yield
      }) : () -> ()
      %barrier3A_32 = arith.constant 0 : index
      tpu.barrier barrier_id(%barrier3A_32)
      "tpu.region"() ({
        %run_scoped3A_41 = tpu.sem_alloc : memref<!tpu.dma_semaphore, #tpu.memory_space<semaphore_mem>>
        tpu.enqueue_dma source(%arg16 : memref<10240xf32, #tpu.memory_space<vmem_shared>>) target(%arg12 : memref<10240xf32, #tpu.memory_space<vmem>>) target_semaphore(%run_scoped3A_41 : memref<!tpu.dma_semaphore, #tpu.memory_space<semaphore_mem>>)
        tpu.wait_dma2 semaphore(%run_scoped3A_41 : memref<!tpu.dma_semaphore, #tpu.memory_space<semaphore_mem>>) src(%arg16 : memref<10240xf32, #tpu.memory_space<vmem_shared>>) dst(%arg12 : memref<10240xf32, #tpu.memory_space<vmem>>)
        tpu.yield
      }) : () -> ()
      %broadcast_in_dim3A_33 = arith.constant 0.000000e+00 : f32
      %broadcast_in_dim3A_34 = vector.broadcast %broadcast_in_dim3A_33 : f32 to vector<16xf32>
      %scan3A_35 = arith.constant 0 : i32
      %scan3A_36 = arith.constant 0 : i32
      %scan3A_37 = arith.constant 625 : i32
      %scan3A_38 = arith.addi %scan3A_36, %scan3A_37 : i32
      %scan3A_39 = arith.constant 1 : i32
      scf.for %scan3A_41 = %scan3A_36 to %scan3A_38 step %scan3A_39  : i32 {
        %mul3A_42 = arith.constant 16 : i32
        %mul3A_43 = arith.muli %scan3A_41, %mul3A_42 : i32
        %get3A_44 = arith.index_cast %mul3A_43 : i32 to index
        %get3A_45 = tpu.vector_load %arg6[%get3A_44] {strides = array<i32>} : memref<10000xi32, #tpu.memory_space<vmem>>, vector<16xi32>,
        %get3A_46 = arith.index_cast %mul3A_43 : i32 to index
        %get3A_47 = tpu.vector_load %arg7[%get3A_46] {strides = array<i32>} : memref<10000xi32, #tpu.memory_space<vmem>>, vector<16xi32>,
        %gather3A = tpu.vector_load_idx %arg12[%get3A_47] : memref<10240xf32, #tpu.memory_space<vmem>>[vector<16xi32>], vector<16xf32>,
        %eq3A_48 = arith.cmpi eq, %get3A_45, %get3A_3 : vector<16xi32>
        %select_n3A = arith.select %eq3A_48, %gather3A, %broadcast_in_dim3A_34 : vector<16xi1>, vector<16xf32>
        %swap3A = arith.index_cast %mul3A_43 : i32 to index
        %swap3A_49 = tpu.vector_load %arg13[%swap3A] {strides = array<i32>} : memref<10000xf32, #tpu.memory_space<vmem>>, vector<16xf32>,
        tpu.vector_store %arg13[%swap3A], %select_n3A {strides = array<i32>} : memref<10000xf32, #tpu.memory_space<vmem>>, vector<16xf32>,
      }
      %scan3A_40 = arith.constant 625 : i32
      "tpu.region"() ({
        %run_scoped3A_41 = tpu.sem_alloc : memref<!tpu.dma_semaphore, #tpu.memory_space<semaphore_mem>>
        %dma_start3A = tpu.memref_slice %arg5[%mul3A_2] : memref<160000xf32, #tpu.memory_space<hbm>> -> memref<10000xf32, #tpu.memory_space<hbm>>
        %dma_start3A_42 = tpu.memref_slice %arg5[%mul3A_2] : memref<160000xf32, #tpu.memory_space<hbm>> -> memref<10000xf32, #tpu.memory_space<hbm>>
        tpu.enqueue_dma source(%arg13 : memref<10000xf32, #tpu.memory_space<vmem>>) target(%dma_start3A_42 : memref<10000xf32, #tpu.memory_space<hbm>>) target_semaphore(%run_scoped3A_41 : memref<!tpu.dma_semaphore, #tpu.memory_space<semaphore_mem>>)
        %dma_wait3A = tpu.memref_slice %arg5[%mul3A_2] : memref<160000xf32, #tpu.memory_space<hbm>> -> memref<10000xf32, #tpu.memory_space<hbm>>
        %dma_wait3A_43 = tpu.memref_slice %arg5[%mul3A_2] : memref<160000xf32, #tpu.memory_space<hbm>> -> memref<10000xf32, #tpu.memory_space<hbm>>
        tpu.wait_dma2 semaphore(%run_scoped3A_41 : memref<!tpu.dma_semaphore, #tpu.memory_space<semaphore_mem>>) src(%arg13 : memref<10000xf32, #tpu.memory_space<vmem>>) dst(%dma_wait3A_43 : memref<10000xf32, #tpu.memory_space<hbm>>)
        tpu.yield
      }) : () -> ()
    } else {
    }
    return
  }
}

module attributes {stable_mosaic.version = 14 : i64} {
  func.func @_gather_body(%arg0: i32, %arg1: memref<50xi32, #tpu.memory_space<smem>>, %arg2: memref<1x1x128xf32, #tpu.memory_space<vmem>>, %arg3: memref<1x1x128xf32, #tpu.memory_space<vmem>>) attributes {dimension_semantics = [#tpu.dimension_semantics<arbitrary>], iteration_bounds = array<i64: 50>, scalar_prefetch = 1 : i64, scratch_operands = 0 : i64, tpu.core_type = #tpu.core_type<tc>, window_params = [{transform_indices = @transform_0, window_bounds = array<i64: 1, 1, 128>}, {transform_indices = @transform_1, window_bounds = array<i64: 1, 1, 128>}]} {
    %get3A = arith.constant 0 : index
    %get3A_0 = arith.constant 0 : index
    %get3A_1 = arith.constant 0 : index
    %get3A_2 = vector.load %arg2[%get3A, %get3A_0, %get3A_1] : memref<1x1x128xf32, #tpu.memory_space<vmem>>, vector<1x1x128xf32>
    %swap3A = arith.constant 0 : index
    %swap3A_3 = arith.constant 0 : index
    %swap3A_4 = arith.constant 0 : index
    %swap3A_5 = vector.load %arg3[%swap3A, %swap3A_3, %swap3A_4] : memref<1x1x128xf32, #tpu.memory_space<vmem>>, vector<1x1x128xf32>
    tpu.vector_store %arg3[%swap3A, %swap3A_3, %swap3A_4], %get3A_2 {strides = array<i32>} : memref<1x1x128xf32, #tpu.memory_space<vmem>>, vector<1x1x128xf32>,
    return
  }
  func.func @transform_0(%arg0: i32, %arg1: memref<50xi32, #tpu.memory_space<smem>>) -> (i32, i32, i32) {
    %get3A = arith.index_cast %arg0 : i32 to index
    %get3A_0 = memref.load %arg1[%get3A] : memref<50xi32, #tpu.memory_space<smem>>
    %c0_i32 = arith.constant 0 : i32
    %c0_i32_1 = arith.constant 0 : i32
    %c0_i32_2 = arith.constant 0 : i32
    return %get3A_0, %c0_i32, %c0_i32_1 : i32, i32, i32
  }
  func.func @transform_1(%arg0: i32, %arg1: memref<50xi32, #tpu.memory_space<smem>>) -> (i32, i32, i32) {
    %c0_i32 = arith.constant 0 : i32
    %c0_i32_0 = arith.constant 0 : i32
    %c0_i32_1 = arith.constant 0 : i32
    return %arg0, %c0_i32, %c0_i32_0 : i32, i32, i32
  }
}

module attributes {stable_mosaic.version = 14 : i64} {
  func.func @_title_body(%arg0: memref<50x128xf32, #tpu.memory_space<vmem>>, %arg1: memref<384x128xf32, #tpu.memory_space<vmem>>, %arg2: memref<128x384xf32, #tpu.memory_space<vmem>>, %arg3: memref<1x384xf32, #tpu.memory_space<vmem>>, %arg4: memref<1x384xf32, #tpu.memory_space<vmem>>, %arg5: memref<384x128xf32, #tpu.memory_space<vmem>>, %arg6: memref<128x384xf32, #tpu.memory_space<vmem>>, %arg7: memref<1x384xf32, #tpu.memory_space<vmem>>, %arg8: memref<1x384xf32, #tpu.memory_space<vmem>>, %arg9: memref<384x256xf32, #tpu.memory_space<vmem>>, %arg10: memref<128x384xf32, #tpu.memory_space<vmem>>, %arg11: memref<1x384xf32, #tpu.memory_space<vmem>>, %arg12: memref<1x384xf32, #tpu.memory_space<vmem>>, %arg13: memref<384x256xf32, #tpu.memory_space<vmem>>, %arg14: memref<128x384xf32, #tpu.memory_space<vmem>>, %arg15: memref<1x384xf32, #tpu.memory_space<vmem>>, %arg16: memref<1x384xf32, #tpu.memory_space<vmem>>, %arg17: memref<1x128xf32, #tpu.memory_space<vmem>>, %arg18: memref<50x128xf32, #tpu.memory_space<vmem>>, %arg19: memref<50x128xf32, #tpu.memory_space<vmem>>, %arg20: memref<50x384xf32, #tpu.memory_space<vmem>>, %arg21: memref<50x384xf32, #tpu.memory_space<vmem>>, %arg22: memref<50x384xf32, #tpu.memory_space<vmem>>, %arg23: memref<50x384xf32, #tpu.memory_space<vmem>>) attributes {dimension_semantics = [], scalar_prefetch = 0 : i64, scratch_operands = 6 : i64, tpu.core_type = #tpu.core_type<tc>} {
    %get3A = arith.constant 0 : index
    %get3A_0 = arith.constant 0 : index
    %get3A_1 = vector.load %arg0[%get3A, %get3A_0] : memref<50x128xf32, #tpu.memory_space<vmem>>, vector<50x128xf32>
    %get3A_2 = arith.constant 0 : index
    %get3A_3 = arith.constant 0 : index
    %get3A_4 = vector.load %arg1[%get3A_2, %get3A_3] : memref<384x128xf32, #tpu.memory_space<vmem>>, vector<384x128xf32>
    %dot_general3A = arith.constant dense<0.000000e+00> : vector<50x384xf32>
    %dot_general3A_5 = tpu.matmul %get3A_1, %get3A_4, %dot_general3A {dimension_numbers = #tpu.dot_dimension_numbers<[1], [1], [0], [0], [0, 0, 1, 0], [], []>, precision = #tpu.contract_precision<fp32>, transpose_lhs_hint = false} : vector<50x128xf32>, vector<384x128xf32>, vector<50x384xf32> -> vector<50x384xf32>
    %get3A_6 = arith.constant 0 : index
    %get3A_7 = arith.constant 0 : index
    %get3A_8 = vector.load %arg3[%get3A_6, %get3A_7] : memref<1x384xf32, #tpu.memory_space<vmem>>, vector<1x384xf32>
    %add3A = vector.broadcast %get3A_8 : vector<1x384xf32> to vector<50x384xf32>
    %add3A_9 = arith.addf %dot_general3A_5, %add3A : vector<50x384xf32>
    %swap3A = arith.constant 0 : index
    %swap3A_10 = arith.constant 0 : index
    %swap3A_11 = vector.load %arg22[%swap3A, %swap3A_10] : memref<50x384xf32, #tpu.memory_space<vmem>>, vector<50x384xf32>
    tpu.vector_store %arg22[%swap3A, %swap3A_10], %add3A_9 {strides = array<i32>} : memref<50x384xf32, #tpu.memory_space<vmem>>, vector<50x384xf32>,
    %get3A_12 = arith.constant 0 : index
    %get3A_13 = arith.constant 0 : index
    %get3A_14 = vector.load %arg5[%get3A_12, %get3A_13] : memref<384x128xf32, #tpu.memory_space<vmem>>, vector<384x128xf32>
    %dot_general3A_15 = arith.constant dense<0.000000e+00> : vector<50x384xf32>
    %dot_general3A_16 = tpu.matmul %get3A_1, %get3A_14, %dot_general3A_15 {dimension_numbers = #tpu.dot_dimension_numbers<[1], [1], [0], [0], [0, 0, 1, 0], [], []>, precision = #tpu.contract_precision<fp32>, transpose_lhs_hint = false} : vector<50x128xf32>, vector<384x128xf32>, vector<50x384xf32> -> vector<50x384xf32>
    %get3A_17 = arith.constant 0 : index
    %get3A_18 = arith.constant 0 : index
    %get3A_19 = vector.load %arg7[%get3A_17, %get3A_18] : memref<1x384xf32, #tpu.memory_space<vmem>>, vector<1x384xf32>
    %add3A_20 = vector.broadcast %get3A_19 : vector<1x384xf32> to vector<50x384xf32>
    %add3A_21 = arith.addf %dot_general3A_16, %add3A_20 : vector<50x384xf32>
    %swap3A_22 = arith.constant 0 : index
    %swap3A_23 = arith.constant 0 : index
    %swap3A_24 = vector.load %arg23[%swap3A_22, %swap3A_23] : memref<50x384xf32, #tpu.memory_space<vmem>>, vector<50x384xf32>
    tpu.vector_store %arg23[%swap3A_22, %swap3A_23], %add3A_21 {strides = array<i32>} : memref<50x384xf32, #tpu.memory_space<vmem>>, vector<50x384xf32>,
    %get3A_25 = arith.constant 0 : index
    %get3A_26 = arith.constant 0 : index
    %get3A_27 = vector.load %arg2[%get3A_25, %get3A_26] : memref<128x384xf32, #tpu.memory_space<vmem>>, vector<128x384xf32>
    %get3A_28 = arith.constant 0 : index
    %get3A_29 = arith.constant 0 : index
    %get3A_30 = vector.load %arg6[%get3A_28, %get3A_29] : memref<128x384xf32, #tpu.memory_space<vmem>>, vector<128x384xf32>
    %get3A_31 = arith.constant 0 : index
    %get3A_32 = arith.constant 0 : index
    %get3A_33 = vector.load %arg4[%get3A_31, %get3A_32] : memref<1x384xf32, #tpu.memory_space<vmem>>, vector<1x384xf32>
    %get3A_34 = arith.constant 0 : index
    %get3A_35 = arith.constant 0 : index
    %get3A_36 = vector.load %arg8[%get3A_34, %get3A_35] : memref<1x384xf32, #tpu.memory_space<vmem>>, vector<1x384xf32>
    %broadcast_in_dim3A = arith.constant 0.000000e+00 : f32
    %broadcast_in_dim3A_37 = vector.broadcast %broadcast_in_dim3A : f32 to vector<1x128xf32>
    %scan3A = arith.constant 0 : i32
    %scan3A_38 = arith.constant 50 : i32
    %scan3A_39 = arith.addi %scan3A, %scan3A_38 : i32
    %scan3A_40 = arith.constant 1 : i32
    %scan3A_41:2 = scf.for %scan3A_101 = %scan3A to %scan3A_39 step %scan3A_40 iter_args(%scan3A_102 = %broadcast_in_dim3A_37, %scan3A_103 = %broadcast_in_dim3A_37) -> (vector<1x128xf32>, vector<1x128xf32>)  : i32 {
      %sub3A = arith.constant 49 : i32
      %sub3A_104 = arith.subi %sub3A, %scan3A_101 : i32
      %get3A_105 = arith.index_cast %scan3A_101 : i32 to index
      %get3A_106 = arith.constant 0 : index
      %get3A_107 = vector.load %arg22[%get3A_105, %get3A_106] : memref<50x384xf32, #tpu.memory_space<vmem>>, vector<1x384xf32>
      %dot_general3A_108 = arith.constant dense<0.000000e+00> : vector<1x384xf32>
      %dot_general3A_109 = tpu.matmul %scan3A_102, %get3A_27, %dot_general3A_108 {dimension_numbers = #tpu.dot_dimension_numbers<[1], [0], [0], [1], [0, 0, 1, 1], [], []>, precision = #tpu.contract_precision<fp32>, transpose_lhs_hint = false} : vector<1x128xf32>, vector<128x384xf32>, vector<1x384xf32> -> vector<1x384xf32>
      %add3A_110 = arith.addf %dot_general3A_109, %get3A_33 : vector<1x384xf32>
      %slice3A = vector.extract_strided_slice %get3A_107 {offsets = [0, 0], sizes = [1, 128], strides = [1, 1]} : vector<1x384xf32> to vector<1x128xf32>
      %slice3A_111 = vector.extract_strided_slice %add3A_110 {offsets = [0, 0], sizes = [1, 128], strides = [1, 1]} : vector<1x384xf32> to vector<1x128xf32>
      %add3A_112 = arith.addf %slice3A, %slice3A_111 : vector<1x128xf32>
      %logistic3A = arith.negf %add3A_112 : vector<1x128xf32>
      %logistic3A_113 = math.exp %logistic3A : vector<1x128xf32>
      %logistic3A_114 = arith.constant 1.000000e+00 : f32
      %logistic3A_115 = vector.broadcast %logistic3A_114 : f32 to vector<1x128xf32>
      %logistic3A_116 = arith.addf %logistic3A_115, %logistic3A_113 : vector<1x128xf32>
      %logistic3A_117 = arith.divf %logistic3A_115, %logistic3A_116 : vector<1x128xf32>
      %slice3A_118 = vector.extract_strided_slice %get3A_107 {offsets = [0, 128], sizes = [1, 128], strides = [1, 1]} : vector<1x384xf32> to vector<1x128xf32>
      %slice3A_119 = vector.extract_strided_slice %add3A_110 {offsets = [0, 128], sizes = [1, 128], strides = [1, 1]} : vector<1x384xf32> to vector<1x128xf32>
      %add3A_120 = arith.addf %slice3A_118, %slice3A_119 : vector<1x128xf32>
      %logistic3A_121 = arith.negf %add3A_120 : vector<1x128xf32>
      %logistic3A_122 = math.exp %logistic3A_121 : vector<1x128xf32>
      %logistic3A_123 = arith.constant 1.000000e+00 : f32
      %logistic3A_124 = vector.broadcast %logistic3A_123 : f32 to vector<1x128xf32>
      %logistic3A_125 = arith.addf %logistic3A_124, %logistic3A_122 : vector<1x128xf32>
      %logistic3A_126 = arith.divf %logistic3A_124, %logistic3A_125 : vector<1x128xf32>
      %slice3A_127 = vector.extract_strided_slice %get3A_107 {offsets = [0, 256], sizes = [1, 128], strides = [1, 1]} : vector<1x384xf32> to vector<1x128xf32>
      %slice3A_128 = vector.extract_strided_slice %add3A_110 {offsets = [0, 256], sizes = [1, 128], strides = [1, 1]} : vector<1x384xf32> to vector<1x128xf32>
      %mul3A_129 = arith.mulf %logistic3A_117, %slice3A_128 : vector<1x128xf32>
      %add3A_130 = arith.addf %slice3A_127, %mul3A_129 : vector<1x128xf32>
      %tanh3A = math.tanh %add3A_130 : vector<1x128xf32>
      %sub3A_131 = arith.constant 1.000000e+00 : f32
      %sub3A_132 = vector.broadcast %sub3A_131 : f32 to vector<1x128xf32>
      %sub3A_133 = arith.subf %sub3A_132, %logistic3A_126 : vector<1x128xf32>
      %mul3A_134 = arith.mulf %sub3A_133, %tanh3A : vector<1x128xf32>
      %mul3A_135 = arith.mulf %logistic3A_126, %scan3A_102 : vector<1x128xf32>
      %add3A_136 = arith.addf %mul3A_134, %mul3A_135 : vector<1x128xf32>
      %get3A_137 = arith.index_cast %sub3A_104 : i32 to index
      %get3A_138 = arith.constant 0 : index
      %get3A_139 = vector.load %arg23[%get3A_137, %get3A_138] : memref<50x384xf32, #tpu.memory_space<vmem>>, vector<1x384xf32>
      %dot_general3A_140 = arith.constant dense<0.000000e+00> : vector<1x384xf32>
      %dot_general3A_141 = tpu.matmul %scan3A_103, %get3A_30, %dot_general3A_140 {dimension_numbers = #tpu.dot_dimension_numbers<[1], [0], [0], [1], [0, 0, 1, 1], [], []>, precision = #tpu.contract_precision<fp32>, transpose_lhs_hint = false} : vector<1x128xf32>, vector<128x384xf32>, vector<1x384xf32> -> vector<1x384xf32>
      %add3A_142 = arith.addf %dot_general3A_141, %get3A_36 : vector<1x384xf32>
      %slice3A_143 = vector.extract_strided_slice %get3A_139 {offsets = [0, 0], sizes = [1, 128], strides = [1, 1]} : vector<1x384xf32> to vector<1x128xf32>
      %slice3A_144 = vector.extract_strided_slice %add3A_142 {offsets = [0, 0], sizes = [1, 128], strides = [1, 1]} : vector<1x384xf32> to vector<1x128xf32>
      %add3A_145 = arith.addf %slice3A_143, %slice3A_144 : vector<1x128xf32>
      %logistic3A_146 = arith.negf %add3A_145 : vector<1x128xf32>
      %logistic3A_147 = math.exp %logistic3A_146 : vector<1x128xf32>
      %logistic3A_148 = arith.constant 1.000000e+00 : f32
      %logistic3A_149 = vector.broadcast %logistic3A_148 : f32 to vector<1x128xf32>
      %logistic3A_150 = arith.addf %logistic3A_149, %logistic3A_147 : vector<1x128xf32>
      %logistic3A_151 = arith.divf %logistic3A_149, %logistic3A_150 : vector<1x128xf32>
      %slice3A_152 = vector.extract_strided_slice %get3A_139 {offsets = [0, 128], sizes = [1, 128], strides = [1, 1]} : vector<1x384xf32> to vector<1x128xf32>
      %slice3A_153 = vector.extract_strided_slice %add3A_142 {offsets = [0, 128], sizes = [1, 128], strides = [1, 1]} : vector<1x384xf32> to vector<1x128xf32>
      %add3A_154 = arith.addf %slice3A_152, %slice3A_153 : vector<1x128xf32>
      %logistic3A_155 = arith.negf %add3A_154 : vector<1x128xf32>
      %logistic3A_156 = math.exp %logistic3A_155 : vector<1x128xf32>
      %logistic3A_157 = arith.constant 1.000000e+00 : f32
      %logistic3A_158 = vector.broadcast %logistic3A_157 : f32 to vector<1x128xf32>
      %logistic3A_159 = arith.addf %logistic3A_158, %logistic3A_156 : vector<1x128xf32>
      %logistic3A_160 = arith.divf %logistic3A_158, %logistic3A_159 : vector<1x128xf32>
      %slice3A_161 = vector.extract_strided_slice %get3A_139 {offsets = [0, 256], sizes = [1, 128], strides = [1, 1]} : vector<1x384xf32> to vector<1x128xf32>
      %slice3A_162 = vector.extract_strided_slice %add3A_142 {offsets = [0, 256], sizes = [1, 128], strides = [1, 1]} : vector<1x384xf32> to vector<1x128xf32>
      %mul3A_163 = arith.mulf %logistic3A_151, %slice3A_162 : vector<1x128xf32>
      %add3A_164 = arith.addf %slice3A_161, %mul3A_163 : vector<1x128xf32>
      %tanh3A_165 = math.tanh %add3A_164 : vector<1x128xf32>
      %sub3A_166 = arith.constant 1.000000e+00 : f32
      %sub3A_167 = vector.broadcast %sub3A_166 : f32 to vector<1x128xf32>
      %sub3A_168 = arith.subf %sub3A_167, %logistic3A_160 : vector<1x128xf32>
      %mul3A_169 = arith.mulf %sub3A_168, %tanh3A_165 : vector<1x128xf32>
      %mul3A_170 = arith.mulf %logistic3A_160, %scan3A_103 : vector<1x128xf32>
      %add3A_171 = arith.addf %mul3A_169, %mul3A_170 : vector<1x128xf32>
      %swap3A_172 = arith.index_cast %scan3A_101 : i32 to index
      %swap3A_173 = arith.constant 0 : index
      %swap3A_174 = vector.load %arg18[%swap3A_172, %swap3A_173] : memref<50x128xf32, #tpu.memory_space<vmem>>, vector<1x128xf32>
      tpu.vector_store %arg18[%swap3A_172, %swap3A_173], %add3A_136 {strides = array<i32>} : memref<50x128xf32, #tpu.memory_space<vmem>>, vector<1x128xf32>,
      %swap3A_175 = arith.index_cast %sub3A_104 : i32 to index
      %swap3A_176 = arith.constant 0 : index
      %swap3A_177 = vector.load %arg19[%swap3A_175, %swap3A_176] : memref<50x128xf32, #tpu.memory_space<vmem>>, vector<1x128xf32>
      tpu.vector_store %arg19[%swap3A_175, %swap3A_176], %add3A_171 {strides = array<i32>} : memref<50x128xf32, #tpu.memory_space<vmem>>, vector<1x128xf32>,
      scf.yield %add3A_136, %add3A_171 : vector<1x128xf32>, vector<1x128xf32>
    }
    %scan3A_42 = arith.constant 50 : i32
    %get3A_43 = arith.constant 0 : index
    %get3A_44 = arith.constant 0 : index
    %get3A_45 = vector.load %arg18[%get3A_43, %get3A_44] : memref<50x128xf32, #tpu.memory_space<vmem>>, vector<50x128xf32>
    %get3A_46 = arith.constant 0 : index
    %get3A_47 = arith.constant 0 : index
    %get3A_48 = vector.load %arg19[%get3A_46, %get3A_47] : memref<50x128xf32, #tpu.memory_space<vmem>>, vector<50x128xf32>
    %concatenate3A = tpu.concatenate %get3A_45, %get3A_48 in 1 : vector<50x128xf32>, vector<50x128xf32> -> vector<50x256xf32>
    %get3A_49 = arith.constant 0 : index
    %get3A_50 = arith.constant 0 : index
    %get3A_51 = vector.load %arg9[%get3A_49, %get3A_50] : memref<384x256xf32, #tpu.memory_space<vmem>>, vector<384x256xf32>
    %dot_general3A_52 = arith.constant dense<0.000000e+00> : vector<50x384xf32>
    %dot_general3A_53 = tpu.matmul %concatenate3A, %get3A_51, %dot_general3A_52 {dimension_numbers = #tpu.dot_dimension_numbers<[1], [1], [0], [0], [0, 0, 1, 0], [], []>, precision = #tpu.contract_precision<fp32>, transpose_lhs_hint = false} : vector<50x256xf32>, vector<384x256xf32>, vector<50x384xf32> -> vector<50x384xf32>
    %get3A_54 = arith.constant 0 : index
    %get3A_55 = arith.constant 0 : index
    %get3A_56 = vector.load %arg11[%get3A_54, %get3A_55] : memref<1x384xf32, #tpu.memory_space<vmem>>, vector<1x384xf32>
    %add3A_57 = vector.broadcast %get3A_56 : vector<1x384xf32> to vector<50x384xf32>
    %add3A_58 = arith.addf %dot_general3A_53, %add3A_57 : vector<50x384xf32>
    %swap3A_59 = arith.constant 0 : index
    %swap3A_60 = arith.constant 0 : index
    %swap3A_61 = vector.load %arg20[%swap3A_59, %swap3A_60] : memref<50x384xf32, #tpu.memory_space<vmem>>, vector<50x384xf32>
    tpu.vector_store %arg20[%swap3A_59, %swap3A_60], %add3A_58 {strides = array<i32>} : memref<50x384xf32, #tpu.memory_space<vmem>>, vector<50x384xf32>,
    %get3A_62 = arith.constant 0 : index
    %get3A_63 = arith.constant 0 : index
    %get3A_64 = vector.load %arg13[%get3A_62, %get3A_63] : memref<384x256xf32, #tpu.memory_space<vmem>>, vector<384x256xf32>
    %dot_general3A_65 = arith.constant dense<0.000000e+00> : vector<50x384xf32>
    %dot_general3A_66 = tpu.matmul %concatenate3A, %get3A_64, %dot_general3A_65 {dimension_numbers = #tpu.dot_dimension_numbers<[1], [1], [0], [0], [0, 0, 1, 0], [], []>, precision = #tpu.contract_precision<fp32>, transpose_lhs_hint = false} : vector<50x256xf32>, vector<384x256xf32>, vector<50x384xf32> -> vector<50x384xf32>
    %get3A_67 = arith.constant 0 : index
    %get3A_68 = arith.constant 0 : index
    %get3A_69 = vector.load %arg15[%get3A_67, %get3A_68] : memref<1x384xf32, #tpu.memory_space<vmem>>, vector<1x384xf32>
    %add3A_70 = vector.broadcast %get3A_69 : vector<1x384xf32> to vector<50x384xf32>
    %add3A_71 = arith.addf %dot_general3A_66, %add3A_70 : vector<50x384xf32>
    %swap3A_72 = arith.constant 0 : index
    %swap3A_73 = arith.constant 0 : index
    %swap3A_74 = vector.load %arg21[%swap3A_72, %swap3A_73] : memref<50x384xf32, #tpu.memory_space<vmem>>, vector<50x384xf32>
    tpu.vector_store %arg21[%swap3A_72, %swap3A_73], %add3A_71 {strides = array<i32>} : memref<50x384xf32, #tpu.memory_space<vmem>>, vector<50x384xf32>,
    %get3A_75 = arith.constant 0 : index
    %get3A_76 = arith.constant 0 : index
    %get3A_77 = vector.load %arg10[%get3A_75, %get3A_76] : memref<128x384xf32, #tpu.memory_space<vmem>>, vector<128x384xf32>
    %get3A_78 = arith.constant 0 : index
    %get3A_79 = arith.constant 0 : index
    %get3A_80 = vector.load %arg14[%get3A_78, %get3A_79] : memref<128x384xf32, #tpu.memory_space<vmem>>, vector<128x384xf32>
    %get3A_81 = arith.constant 0 : index
    %get3A_82 = arith.constant 0 : index
    %get3A_83 = vector.load %arg12[%get3A_81, %get3A_82] : memref<1x384xf32, #tpu.memory_space<vmem>>, vector<1x384xf32>
    %get3A_84 = arith.constant 0 : index
    %get3A_85 = arith.constant 0 : index
    %get3A_86 = vector.load %arg16[%get3A_84, %get3A_85] : memref<1x384xf32, #tpu.memory_space<vmem>>, vector<1x384xf32>
    %scan3A_87 = arith.constant 0 : i32
    %scan3A_88 = arith.constant 50 : i32
    %scan3A_89 = arith.addi %scan3A_87, %scan3A_88 : i32
    %scan3A_90 = arith.constant 1 : i32
    %scan3A_91:2 = scf.for %scan3A_101 = %scan3A_87 to %scan3A_89 step %scan3A_90 iter_args(%scan3A_102 = %broadcast_in_dim3A_37, %scan3A_103 = %broadcast_in_dim3A_37) -> (vector<1x128xf32>, vector<1x128xf32>)  : i32 {
      %sub3A = arith.constant 49 : i32
      %sub3A_104 = arith.subi %sub3A, %scan3A_101 : i32
      %get3A_105 = arith.index_cast %scan3A_101 : i32 to index
      %get3A_106 = arith.constant 0 : index
      %get3A_107 = vector.load %arg20[%get3A_105, %get3A_106] : memref<50x384xf32, #tpu.memory_space<vmem>>, vector<1x384xf32>
      %dot_general3A_108 = arith.constant dense<0.000000e+00> : vector<1x384xf32>
      %dot_general3A_109 = tpu.matmul %scan3A_102, %get3A_77, %dot_general3A_108 {dimension_numbers = #tpu.dot_dimension_numbers<[1], [0], [0], [1], [0, 0, 1, 1], [], []>, precision = #tpu.contract_precision<fp32>, transpose_lhs_hint = false} : vector<1x128xf32>, vector<128x384xf32>, vector<1x384xf32> -> vector<1x384xf32>
      %add3A_110 = arith.addf %dot_general3A_109, %get3A_83 : vector<1x384xf32>
      %slice3A = vector.extract_strided_slice %get3A_107 {offsets = [0, 0], sizes = [1, 128], strides = [1, 1]} : vector<1x384xf32> to vector<1x128xf32>
      %slice3A_111 = vector.extract_strided_slice %add3A_110 {offsets = [0, 0], sizes = [1, 128], strides = [1, 1]} : vector<1x384xf32> to vector<1x128xf32>
      %add3A_112 = arith.addf %slice3A, %slice3A_111 : vector<1x128xf32>
      %logistic3A = arith.negf %add3A_112 : vector<1x128xf32>
      %logistic3A_113 = math.exp %logistic3A : vector<1x128xf32>
      %logistic3A_114 = arith.constant 1.000000e+00 : f32
      %logistic3A_115 = vector.broadcast %logistic3A_114 : f32 to vector<1x128xf32>
      %logistic3A_116 = arith.addf %logistic3A_115, %logistic3A_113 : vector<1x128xf32>
      %logistic3A_117 = arith.divf %logistic3A_115, %logistic3A_116 : vector<1x128xf32>
      %slice3A_118 = vector.extract_strided_slice %get3A_107 {offsets = [0, 128], sizes = [1, 128], strides = [1, 1]} : vector<1x384xf32> to vector<1x128xf32>
      %slice3A_119 = vector.extract_strided_slice %add3A_110 {offsets = [0, 128], sizes = [1, 128], strides = [1, 1]} : vector<1x384xf32> to vector<1x128xf32>
      %add3A_120 = arith.addf %slice3A_118, %slice3A_119 : vector<1x128xf32>
      %logistic3A_121 = arith.negf %add3A_120 : vector<1x128xf32>
      %logistic3A_122 = math.exp %logistic3A_121 : vector<1x128xf32>
      %logistic3A_123 = arith.constant 1.000000e+00 : f32
      %logistic3A_124 = vector.broadcast %logistic3A_123 : f32 to vector<1x128xf32>
      %logistic3A_125 = arith.addf %logistic3A_124, %logistic3A_122 : vector<1x128xf32>
      %logistic3A_126 = arith.divf %logistic3A_124, %logistic3A_125 : vector<1x128xf32>
      %slice3A_127 = vector.extract_strided_slice %get3A_107 {offsets = [0, 256], sizes = [1, 128], strides = [1, 1]} : vector<1x384xf32> to vector<1x128xf32>
      %slice3A_128 = vector.extract_strided_slice %add3A_110 {offsets = [0, 256], sizes = [1, 128], strides = [1, 1]} : vector<1x384xf32> to vector<1x128xf32>
      %mul3A_129 = arith.mulf %logistic3A_117, %slice3A_128 : vector<1x128xf32>
      %add3A_130 = arith.addf %slice3A_127, %mul3A_129 : vector<1x128xf32>
      %tanh3A = math.tanh %add3A_130 : vector<1x128xf32>
      %sub3A_131 = arith.constant 1.000000e+00 : f32
      %sub3A_132 = vector.broadcast %sub3A_131 : f32 to vector<1x128xf32>
      %sub3A_133 = arith.subf %sub3A_132, %logistic3A_126 : vector<1x128xf32>
      %mul3A_134 = arith.mulf %sub3A_133, %tanh3A : vector<1x128xf32>
      %mul3A_135 = arith.mulf %logistic3A_126, %scan3A_102 : vector<1x128xf32>
      %add3A_136 = arith.addf %mul3A_134, %mul3A_135 : vector<1x128xf32>
      %get3A_137 = arith.index_cast %sub3A_104 : i32 to index
      %get3A_138 = arith.constant 0 : index
      %get3A_139 = vector.load %arg21[%get3A_137, %get3A_138] : memref<50x384xf32, #tpu.memory_space<vmem>>, vector<1x384xf32>
      %dot_general3A_140 = arith.constant dense<0.000000e+00> : vector<1x384xf32>
      %dot_general3A_141 = tpu.matmul %scan3A_103, %get3A_80, %dot_general3A_140 {dimension_numbers = #tpu.dot_dimension_numbers<[1], [0], [0], [1], [0, 0, 1, 1], [], []>, precision = #tpu.contract_precision<fp32>, transpose_lhs_hint = false} : vector<1x128xf32>, vector<128x384xf32>, vector<1x384xf32> -> vector<1x384xf32>
      %add3A_142 = arith.addf %dot_general3A_141, %get3A_86 : vector<1x384xf32>
      %slice3A_143 = vector.extract_strided_slice %get3A_139 {offsets = [0, 0], sizes = [1, 128], strides = [1, 1]} : vector<1x384xf32> to vector<1x128xf32>
      %slice3A_144 = vector.extract_strided_slice %add3A_142 {offsets = [0, 0], sizes = [1, 128], strides = [1, 1]} : vector<1x384xf32> to vector<1x128xf32>
      %add3A_145 = arith.addf %slice3A_143, %slice3A_144 : vector<1x128xf32>
      %logistic3A_146 = arith.negf %add3A_145 : vector<1x128xf32>
      %logistic3A_147 = math.exp %logistic3A_146 : vector<1x128xf32>
      %logistic3A_148 = arith.constant 1.000000e+00 : f32
      %logistic3A_149 = vector.broadcast %logistic3A_148 : f32 to vector<1x128xf32>
      %logistic3A_150 = arith.addf %logistic3A_149, %logistic3A_147 : vector<1x128xf32>
      %logistic3A_151 = arith.divf %logistic3A_149, %logistic3A_150 : vector<1x128xf32>
      %slice3A_152 = vector.extract_strided_slice %get3A_139 {offsets = [0, 128], sizes = [1, 128], strides = [1, 1]} : vector<1x384xf32> to vector<1x128xf32>
      %slice3A_153 = vector.extract_strided_slice %add3A_142 {offsets = [0, 128], sizes = [1, 128], strides = [1, 1]} : vector<1x384xf32> to vector<1x128xf32>
      %add3A_154 = arith.addf %slice3A_152, %slice3A_153 : vector<1x128xf32>
      %logistic3A_155 = arith.negf %add3A_154 : vector<1x128xf32>
      %logistic3A_156 = math.exp %logistic3A_155 : vector<1x128xf32>
      %logistic3A_157 = arith.constant 1.000000e+00 : f32
      %logistic3A_158 = vector.broadcast %logistic3A_157 : f32 to vector<1x128xf32>
      %logistic3A_159 = arith.addf %logistic3A_158, %logistic3A_156 : vector<1x128xf32>
      %logistic3A_160 = arith.divf %logistic3A_158, %logistic3A_159 : vector<1x128xf32>
      %slice3A_161 = vector.extract_strided_slice %get3A_139 {offsets = [0, 256], sizes = [1, 128], strides = [1, 1]} : vector<1x384xf32> to vector<1x128xf32>
      %slice3A_162 = vector.extract_strided_slice %add3A_142 {offsets = [0, 256], sizes = [1, 128], strides = [1, 1]} : vector<1x384xf32> to vector<1x128xf32>
      %mul3A_163 = arith.mulf %logistic3A_151, %slice3A_162 : vector<1x128xf32>
      %add3A_164 = arith.addf %slice3A_161, %mul3A_163 : vector<1x128xf32>
      %tanh3A_165 = math.tanh %add3A_164 : vector<1x128xf32>
      %sub3A_166 = arith.constant 1.000000e+00 : f32
      %sub3A_167 = vector.broadcast %sub3A_166 : f32 to vector<1x128xf32>
      %sub3A_168 = arith.subf %sub3A_167, %logistic3A_160 : vector<1x128xf32>
      %mul3A_169 = arith.mulf %sub3A_168, %tanh3A_165 : vector<1x128xf32>
      %mul3A_170 = arith.mulf %logistic3A_160, %scan3A_103 : vector<1x128xf32>
      %add3A_171 = arith.addf %mul3A_169, %mul3A_170 : vector<1x128xf32>
      scf.yield %add3A_136, %add3A_171 : vector<1x128xf32>, vector<1x128xf32>
    }
    %scan3A_92 = arith.constant 50 : i32
    %add3A_93 = arith.addf %scan3A_41#0, %scan3A_41#1 : vector<1x128xf32>
    %add3A_94 = arith.addf %add3A_93, %scan3A_91#0 : vector<1x128xf32>
    %add3A_95 = arith.addf %add3A_94, %scan3A_91#1 : vector<1x128xf32>
    %mul3A = arith.constant 2.500000e-01 : f32
    %mul3A_96 = vector.broadcast %mul3A : f32 to vector<1x128xf32>
    %mul3A_97 = arith.mulf %mul3A_96, %add3A_95 : vector<1x128xf32>
    %swap3A_98 = arith.constant 0 : index
    %swap3A_99 = arith.constant 0 : index
    %swap3A_100 = vector.load %arg17[%swap3A_98, %swap3A_99] : memref<1x128xf32, #tpu.memory_space<vmem>>, vector<1x128xf32>
    tpu.vector_store %arg17[%swap3A_98, %swap3A_99], %mul3A_97 {strides = array<i32>} : memref<1x128xf32, #tpu.memory_space<vmem>>, vector<1x128xf32>,
    return
  }
}

module attributes {stable_mosaic.version = 14 : i64} {
  func.func @_nodes_body(%arg0: i32, %arg1: memref<1000x128xf32, #tpu.memory_space<vmem>>, %arg2: memref<1x128xf32, #tpu.memory_space<vmem>>, %arg3: memref<384x128xf32, #tpu.memory_space<vmem>>, %arg4: memref<384x128xf32, #tpu.memory_space<vmem>>, %arg5: memref<384x128xf32, #tpu.memory_space<vmem>>, %arg6: memref<1x384xf32, #tpu.memory_space<vmem>>, %arg7: memref<128x384xf32, #tpu.memory_space<vmem>>, %arg8: memref<128x384xf32, #tpu.memory_space<vmem>>, %arg9: memref<1x128xf32, #tpu.memory_space<vmem>>, %arg10: memref<1x384xf32, #tpu.memory_space<vmem>>, %arg11: memref<1x128xf32, #tpu.memory_space<vmem>>, %arg12: memref<1000x128xf32, #tpu.memory_space<vmem>>, %arg13: memref<2x128xf32, #tpu.memory_space<vmem>>, %arg14: memref<1000x384xf32, #tpu.memory_space<vmem>>, %arg15: memref<1000x384xf32, #tpu.memory_space<vmem>>, %arg16: memref<1000x128xf32, #tpu.memory_space<vmem>>, %arg17: memref<1x128xf32, #tpu.memory_space<vmem>>, %arg18: memref<1x128xf32, #tpu.memory_space<vmem>>, %arg19: memref<1x384xf32, #tpu.memory_space<vmem>>, %arg20: memref<1x384xf32, #tpu.memory_space<vmem>>) attributes {dimension_semantics = [#tpu.dimension_semantics<arbitrary>], iteration_bounds = array<i64: 11>, scalar_prefetch = 0 : i64, scratch_operands = 7 : i64, tpu.core_type = #tpu.core_type<tc>, window_params = [{transform_indices = @transform_0, window_bounds = array<i64: 1000, 128>}, {pipeline_mode = #tpu.pipeline_mode<synchronous>, transform_indices = @transform_1, window_bounds = array<i64: 1, 128>}, {pipeline_mode = #tpu.pipeline_mode<synchronous>, transform_indices = @transform_2, window_bounds = array<i64: 384, 128>}, {pipeline_mode = #tpu.pipeline_mode<synchronous>, transform_indices = @transform_3, window_bounds = array<i64: 384, 128>}, {pipeline_mode = #tpu.pipeline_mode<synchronous>, transform_indices = @transform_4, window_bounds = array<i64: 384, 128>}, {pipeline_mode = #tpu.pipeline_mode<synchronous>, transform_indices = @transform_5, window_bounds = array<i64: 1, 384>}, {pipeline_mode = #tpu.pipeline_mode<synchronous>, transform_indices = @transform_6, window_bounds = array<i64: 128, 384>}, {pipeline_mode = #tpu.pipeline_mode<synchronous>, transform_indices = @transform_7, window_bounds = array<i64: 128, 384>}, {pipeline_mode = #tpu.pipeline_mode<synchronous>, transform_indices = @transform_8, window_bounds = array<i64: 1, 128>}, {pipeline_mode = #tpu.pipeline_mode<synchronous>, transform_indices = @transform_9, window_bounds = array<i64: 1, 384>}, {pipeline_mode = #tpu.pipeline_mode<synchronous>, transform_indices = @transform_10, window_bounds = array<i64: 1, 128>}, {transform_indices = @transform_11, window_bounds = array<i64: 1000, 128>}, {pipeline_mode = #tpu.pipeline_mode<synchronous>, transform_indices = @transform_12, window_bounds = array<i64: 2, 128>}]} {
    %eq3A = arith.constant 0 : i32
    %eq3A_0 = arith.cmpi eq, %arg0, %eq3A : i32
    %convert_element_type3A = arith.extui %eq3A_0 : i1 to i32
    %cond3A = arith.constant 0 : i32
    %cond3A_1 = arith.cmpi ne, %convert_element_type3A, %cond3A : i32
    scf.if %cond3A_1 {
      %broadcast_in_dim3A_82 = arith.constant 0.000000e+00 : f32
      %broadcast_in_dim3A_83 = vector.broadcast %broadcast_in_dim3A_82 : f32 to vector<1x128xf32>
      %swap3A_84 = arith.constant 0 : index
      %swap3A_85 = arith.constant 0 : index
      %swap3A_86 = vector.load %arg17[%swap3A_84, %swap3A_85] : memref<1x128xf32, #tpu.memory_space<vmem>>, vector<1x128xf32>
      tpu.vector_store %arg17[%swap3A_84, %swap3A_85], %broadcast_in_dim3A_83 {strides = array<i32>} : memref<1x128xf32, #tpu.memory_space<vmem>>, vector<1x128xf32>,
      %broadcast_in_dim3A_87 = arith.constant 0.000000e+00 : f32
      %broadcast_in_dim3A_88 = vector.broadcast %broadcast_in_dim3A_87 : f32 to vector<1x128xf32>
      %swap3A_89 = arith.constant 0 : index
      %swap3A_90 = arith.constant 0 : index
      %swap3A_91 = vector.load %arg18[%swap3A_89, %swap3A_90] : memref<1x128xf32, #tpu.memory_space<vmem>>, vector<1x128xf32>
      tpu.vector_store %arg18[%swap3A_89, %swap3A_90], %broadcast_in_dim3A_88 {strides = array<i32>} : memref<1x128xf32, #tpu.memory_space<vmem>>, vector<1x128xf32>,
      %get3A_92 = arith.constant 0 : index
      %get3A_93 = arith.constant 0 : index
      %get3A_94 = vector.load %arg2[%get3A_92, %get3A_93] : memref<1x128xf32, #tpu.memory_space<vmem>>, vector<1x128xf32>
      %get3A_95 = arith.constant 0 : index
      %get3A_96 = arith.constant 0 : index
      %get3A_97 = vector.load %arg3[%get3A_95, %get3A_96] : memref<384x128xf32, #tpu.memory_space<vmem>>, vector<384x128xf32>
      %dot_general3A_98 = arith.constant dense<0.000000e+00> : vector<1x384xf32>
      %dot_general3A_99 = tpu.matmul %get3A_94, %get3A_97, %dot_general3A_98 {dimension_numbers = #tpu.dot_dimension_numbers<[1], [1], [0], [0], [0, 0, 1, 0], [], []>, precision = #tpu.contract_precision<fp32>, transpose_lhs_hint = false} : vector<1x128xf32>, vector<384x128xf32>, vector<1x384xf32> -> vector<1x384xf32>
      %get3A_100 = arith.constant 0 : index
      %get3A_101 = arith.constant 0 : index
      %get3A_102 = vector.load %arg6[%get3A_100, %get3A_101] : memref<1x384xf32, #tpu.memory_space<vmem>>, vector<1x384xf32>
      %add3A_103 = arith.addf %dot_general3A_99, %get3A_102 : vector<1x384xf32>
      %swap3A_104 = arith.constant 0 : index
      %swap3A_105 = arith.constant 0 : index
      %swap3A_106 = vector.load %arg20[%swap3A_104, %swap3A_105] : memref<1x384xf32, #tpu.memory_space<vmem>>, vector<1x384xf32>
      tpu.vector_store %arg20[%swap3A_104, %swap3A_105], %add3A_103 {strides = array<i32>} : memref<1x384xf32, #tpu.memory_space<vmem>>, vector<1x384xf32>,
    } else {
    }
    %get3A = arith.constant 0 : index
    %get3A_2 = arith.constant 0 : index
    %get3A_3 = vector.load %arg1[%get3A, %get3A_2] : memref<1000x128xf32, #tpu.memory_space<vmem>>, vector<1000x128xf32>
    %get3A_4 = arith.constant 0 : index
    %get3A_5 = arith.constant 0 : index
    %get3A_6 = vector.load %arg4[%get3A_4, %get3A_5] : memref<384x128xf32, #tpu.memory_space<vmem>>, vector<384x128xf32>
    %convert_element_type3A_7 = arith.truncf %get3A_3 : vector<1000x128xf32> to vector<1000x128xbf16>
    %convert_element_type3A_8 = arith.truncf %get3A_6 : vector<384x128xf32> to vector<384x128xbf16>
    %dot_general3A = arith.constant dense<0.000000e+00> : vector<1000x384xf32>
    %dot_general3A_9 = tpu.matmul %convert_element_type3A_7, %convert_element_type3A_8, %dot_general3A {dimension_numbers = #tpu.dot_dimension_numbers<[1], [1], [0], [0], [0, 0, 1, 0], [], []>, transpose_lhs_hint = false} : vector<1000x128xbf16>, vector<384x128xbf16>, vector<1000x384xf32> -> vector<1000x384xf32>
    %get3A_10 = arith.constant 0 : index
    %get3A_11 = arith.constant 0 : index
    %get3A_12 = vector.load %arg20[%get3A_10, %get3A_11] : memref<1x384xf32, #tpu.memory_space<vmem>>, vector<1x384xf32>
    %add3A = vector.broadcast %get3A_12 : vector<1x384xf32> to vector<1000x384xf32>
    %add3A_13 = arith.addf %dot_general3A_9, %add3A : vector<1000x384xf32>
    %swap3A = arith.constant 0 : index
    %swap3A_14 = arith.constant 0 : index
    %swap3A_15 = vector.load %arg14[%swap3A, %swap3A_14] : memref<1000x384xf32, #tpu.memory_space<vmem>>, vector<1000x384xf32>
    tpu.vector_store %arg14[%swap3A, %swap3A_14], %add3A_13 {strides = array<i32>} : memref<1000x384xf32, #tpu.memory_space<vmem>>, vector<1000x384xf32>,
    %get3A_16 = arith.constant 0 : index
    %get3A_17 = arith.constant 0 : index
    %get3A_18 = vector.load %arg7[%get3A_16, %get3A_17] : memref<128x384xf32, #tpu.memory_space<vmem>>, vector<128x384xf32>
    %get3A_19 = arith.constant 0 : index
    %get3A_20 = arith.constant 0 : index
    %get3A_21 = vector.load %arg8[%get3A_19, %get3A_20] : memref<128x384xf32, #tpu.memory_space<vmem>>, vector<128x384xf32>
    %get3A_22 = arith.constant 0 : index
    %get3A_23 = arith.constant 0 : index
    %get3A_24 = vector.load %arg9[%get3A_22, %get3A_23] : memref<1x128xf32, #tpu.memory_space<vmem>>, vector<1x128xf32>
    %get3A_25 = arith.constant 0 : index
    %get3A_26 = arith.constant 0 : index
    %get3A_27 = vector.load %arg11[%get3A_25, %get3A_26] : memref<1x128xf32, #tpu.memory_space<vmem>>, vector<1x128xf32>
    %get3A_28 = arith.constant 0 : index
    %get3A_29 = arith.constant 0 : index
    %get3A_30 = vector.load %arg17[%get3A_28, %get3A_29] : memref<1x128xf32, #tpu.memory_space<vmem>>, vector<1x128xf32>
    %get3A_31 = arith.constant 0 : index
    %get3A_32 = arith.constant 0 : index
    %get3A_33 = vector.load %arg18[%get3A_31, %get3A_32] : memref<1x128xf32, #tpu.memory_space<vmem>>, vector<1x128xf32>
    %get3A_34 = arith.constant 0 : index
    %get3A_35 = arith.constant 0 : index
    %get3A_36 = vector.load %arg19[%get3A_34, %get3A_35] : memref<1x384xf32, #tpu.memory_space<vmem>>, vector<1x384xf32>
    %scan3A = arith.constant 0 : i32
    %scan3A_37 = arith.constant 1000 : i32
    %scan3A_38 = arith.addi %scan3A, %scan3A_37 : i32
    %scan3A_39 = arith.constant 8 : i32
    %scan3A_40:3 = scf.for %scan3A_82 = %scan3A to %scan3A_38 step %scan3A_39 iter_args(%scan3A_83 = %get3A_30, %scan3A_84 = %get3A_33, %scan3A_85 = %get3A_36) -> (vector<1x128xf32>, vector<1x128xf32>, vector<1x384xf32>)  : i32 {
      %get3A_86 = arith.index_cast %scan3A_82 : i32 to index
      %get3A_87 = arith.constant 0 : index
      %get3A_88 = vector.load %arg15[%get3A_86, %get3A_87] : memref<1000x384xf32, #tpu.memory_space<vmem>>, vector<1x384xf32>
      %slice3A = vector.extract_strided_slice %scan3A_85 {offsets = [0, 0], sizes = [1, 128], strides = [1, 1]} : vector<1x384xf32> to vector<1x128xf32>
      %slice3A_89 = vector.extract_strided_slice %scan3A_85 {offsets = [0, 128], sizes = [1, 128], strides = [1, 1]} : vector<1x384xf32> to vector<1x128xf32>
      %slice3A_90 = vector.extract_strided_slice %scan3A_85 {offsets = [0, 256], sizes = [1, 128], strides = [1, 1]} : vector<1x384xf32> to vector<1x128xf32>
      %add3A_91 = arith.addf %slice3A_90, %get3A_27 : vector<1x128xf32>
      %slice3A_92 = vector.extract_strided_slice %get3A_88 {offsets = [0, 0], sizes = [1, 128], strides = [1, 1]} : vector<1x384xf32> to vector<1x128xf32>
      %add3A_93 = arith.addf %slice3A_92, %slice3A : vector<1x128xf32>
      %tanh3A = math.tanh %add3A_93 : vector<1x128xf32>
      %mul3A = arith.constant 5.000000e-01 : f32
      %mul3A_94 = vector.broadcast %mul3A : f32 to vector<1x128xf32>
      %mul3A_95 = arith.mulf %mul3A_94, %tanh3A : vector<1x128xf32>
      %add3A_96 = arith.constant 5.000000e-01 : f32
      %add3A_97 = vector.broadcast %add3A_96 : f32 to vector<1x128xf32>
      %add3A_98 = arith.addf %add3A_97, %mul3A_95 : vector<1x128xf32>
      %slice3A_99 = vector.extract_strided_slice %get3A_88 {offsets = [0, 128], sizes = [1, 128], strides = [1, 1]} : vector<1x384xf32> to vector<1x128xf32>
      %add3A_100 = arith.addf %slice3A_99, %slice3A_89 : vector<1x128xf32>
      %tanh3A_101 = math.tanh %add3A_100 : vector<1x128xf32>
      %mul3A_102 = arith.constant 5.000000e-01 : f32
      %mul3A_103 = vector.broadcast %mul3A_102 : f32 to vector<1x128xf32>
      %mul3A_104 = arith.mulf %mul3A_103, %tanh3A_101 : vector<1x128xf32>
      %add3A_105 = arith.constant 5.000000e-01 : f32
      %add3A_106 = vector.broadcast %add3A_105 : f32 to vector<1x128xf32>
      %add3A_107 = arith.addf %add3A_106, %mul3A_104 : vector<1x128xf32>
      %slice3A_108 = vector.extract_strided_slice %get3A_88 {offsets = [0, 256], sizes = [1, 128], strides = [1, 1]} : vector<1x384xf32> to vector<1x128xf32>
      %mul3A_109 = arith.mulf %add3A_98, %add3A_91 : vector<1x128xf32>
      %add3A_110 = arith.addf %slice3A_108, %mul3A_109 : vector<1x128xf32>
      %tanh3A_111 = math.tanh %add3A_110 : vector<1x128xf32>
      %sub3A = arith.subf %scan3A_84, %tanh3A_111 : vector<1x128xf32>
      %mul3A_112 = arith.mulf %add3A_107, %sub3A : vector<1x128xf32>
      %add3A_113 = arith.addf %tanh3A_111, %mul3A_112 : vector<1x128xf32>
      %reshape3A = vector.shape_cast %scan3A_83 : vector<1x128xf32> to vector<128x1xf32>
      %mul3A_114 = vector.broadcast %reshape3A : vector<128x1xf32> to vector<128x384xf32>
      %mul3A_115 = arith.mulf %mul3A_114, %get3A_18 : vector<128x384xf32>
      %slice3A_116 = vector.extract_strided_slice %mul3A_115 {offsets = [0, 0], sizes = [64, 384], strides = [1, 1]} : vector<128x384xf32> to vector<64x384xf32>
      %slice3A_117 = vector.extract_strided_slice %mul3A_115 {offsets = [64, 0], sizes = [64, 384], strides = [1, 1]} : vector<128x384xf32> to vector<64x384xf32>
      %add3A_118 = arith.addf %slice3A_116, %slice3A_117 : vector<64x384xf32>
      %slice3A_119 = vector.extract_strided_slice %add3A_118 {offsets = [0, 0], sizes = [32, 384], strides = [1, 1]} : vector<64x384xf32> to vector<32x384xf32>
      %slice3A_120 = vector.extract_strided_slice %add3A_118 {offsets = [32, 0], sizes = [32, 384], strides = [1, 1]} : vector<64x384xf32> to vector<32x384xf32>
      %add3A_121 = arith.addf %slice3A_119, %slice3A_120 : vector<32x384xf32>
      %slice3A_122 = vector.extract_strided_slice %add3A_121 {offsets = [0, 0], sizes = [16, 384], strides = [1, 1]} : vector<32x384xf32> to vector<16x384xf32>
      %slice3A_123 = vector.extract_strided_slice %add3A_121 {offsets = [16, 0], sizes = [16, 384], strides = [1, 1]} : vector<32x384xf32> to vector<16x384xf32>
      %add3A_124 = arith.addf %slice3A_122, %slice3A_123 : vector<16x384xf32>
      %slice3A_125 = vector.extract_strided_slice %add3A_124 {offsets = [0, 0], sizes = [8, 384], strides = [1, 1]} : vector<16x384xf32> to vector<8x384xf32>
      %slice3A_126 = vector.extract_strided_slice %add3A_124 {offsets = [8, 0], sizes = [8, 384], strides = [1, 1]} : vector<16x384xf32> to vector<8x384xf32>
      %add3A_127 = arith.addf %slice3A_125, %slice3A_126 : vector<8x384xf32>
      %reduce_sum3A = arith.constant dense<0.000000e+00> : vector<384xf32>
      %reduce_sum3A_128 = vector.multi_reduction <add>, %add3A_127, %reduce_sum3A [0] : vector<8x384xf32> to vector<384xf32>
      %broadcast_in_dim3A_129 = vector.shape_cast %reduce_sum3A_128 : vector<384xf32> to vector<1x384xf32>
      %get3A_130 = arith.index_cast %scan3A_82 : i32 to index
      %get3A_131 = arith.constant 0 : index
      %get3A_132 = vector.load %arg14[%get3A_130, %get3A_131] : memref<1000x384xf32, #tpu.memory_space<vmem>>, vector<1x384xf32>
      %slice3A_133 = vector.extract_strided_slice %broadcast_in_dim3A_129 {offsets = [0, 0], sizes = [1, 128], strides = [1, 1]} : vector<1x384xf32> to vector<1x128xf32>
      %slice3A_134 = vector.extract_strided_slice %broadcast_in_dim3A_129 {offsets = [0, 128], sizes = [1, 128], strides = [1, 1]} : vector<1x384xf32> to vector<1x128xf32>
      %slice3A_135 = vector.extract_strided_slice %broadcast_in_dim3A_129 {offsets = [0, 256], sizes = [1, 128], strides = [1, 1]} : vector<1x384xf32> to vector<1x128xf32>
      %add3A_136 = arith.addf %slice3A_135, %get3A_24 : vector<1x128xf32>
      %slice3A_137 = vector.extract_strided_slice %get3A_132 {offsets = [0, 0], sizes = [1, 128], strides = [1, 1]} : vector<1x384xf32> to vector<1x128xf32>
      %add3A_138 = arith.addf %slice3A_137, %slice3A_133 : vector<1x128xf32>
      %tanh3A_139 = math.tanh %add3A_138 : vector<1x128xf32>
      %mul3A_140 = arith.constant 5.000000e-01 : f32
      %mul3A_141 = vector.broadcast %mul3A_140 : f32 to vector<1x128xf32>
      %mul3A_142 = arith.mulf %mul3A_141, %tanh3A_139 : vector<1x128xf32>
      %add3A_143 = arith.constant 5.000000e-01 : f32
      %add3A_144 = vector.broadcast %add3A_143 : f32 to vector<1x128xf32>
      %add3A_145 = arith.addf %add3A_144, %mul3A_142 : vector<1x128xf32>
      %slice3A_146 = vector.extract_strided_slice %get3A_132 {offsets = [0, 128], sizes = [1, 128], strides = [1, 1]} : vector<1x384xf32> to vector<1x128xf32>
      %add3A_147 = arith.addf %slice3A_146, %slice3A_134 : vector<1x128xf32>
      %tanh3A_148 = math.tanh %add3A_147 : vector<1x128xf32>
      %mul3A_149 = arith.constant 5.000000e-01 : f32
      %mul3A_150 = vector.broadcast %mul3A_149 : f32 to vector<1x128xf32>
      %mul3A_151 = arith.mulf %mul3A_150, %tanh3A_148 : vector<1x128xf32>
      %add3A_152 = arith.constant 5.000000e-01 : f32
      %add3A_153 = vector.broadcast %add3A_152 : f32 to vector<1x128xf32>
      %add3A_154 = arith.addf %add3A_153, %mul3A_151 : vector<1x128xf32>
      %slice3A_155 = vector.extract_strided_slice %get3A_132 {offsets = [0, 256], sizes = [1, 128], strides = [1, 1]} : vector<1x384xf32> to vector<1x128xf32>
      %mul3A_156 = arith.mulf %add3A_145, %add3A_136 : vector<1x128xf32>
      %add3A_157 = arith.addf %slice3A_155, %mul3A_156 : vector<1x128xf32>
      %tanh3A_158 = math.tanh %add3A_157 : vector<1x128xf32>
      %sub3A_159 = arith.subf %scan3A_83, %tanh3A_158 : vector<1x128xf32>
      %mul3A_160 = arith.mulf %add3A_154, %sub3A_159 : vector<1x128xf32>
      %add3A_161 = arith.addf %tanh3A_158, %mul3A_160 : vector<1x128xf32>
      %reshape3A_162 = vector.shape_cast %add3A_113 : vector<1x128xf32> to vector<128x1xf32>
      %mul3A_163 = vector.broadcast %reshape3A_162 : vector<128x1xf32> to vector<128x384xf32>
      %mul3A_164 = arith.mulf %mul3A_163, %get3A_21 : vector<128x384xf32>
      %slice3A_165 = vector.extract_strided_slice %mul3A_164 {offsets = [0, 0], sizes = [64, 384], strides = [1, 1]} : vector<128x384xf32> to vector<64x384xf32>
      %slice3A_166 = vector.extract_strided_slice %mul3A_164 {offsets = [64, 0], sizes = [64, 384], strides = [1, 1]} : vector<128x384xf32> to vector<64x384xf32>
      %add3A_167 = arith.addf %slice3A_165, %slice3A_166 : vector<64x384xf32>
      %slice3A_168 = vector.extract_strided_slice %add3A_167 {offsets = [0, 0], sizes = [32, 384], strides = [1, 1]} : vector<64x384xf32> to vector<32x384xf32>
      %slice3A_169 = vector.extract_strided_slice %add3A_167 {offsets = [32, 0], sizes = [32, 384], strides = [1, 1]} : vector<64x384xf32> to vector<32x384xf32>
      %add3A_170 = arith.addf %slice3A_168, %slice3A_169 : vector<32x384xf32>
      %slice3A_171 = vector.extract_strided_slice %add3A_170 {offsets = [0, 0], sizes = [16, 384], strides = [1, 1]} : vector<32x384xf32> to vector<16x384xf32>
      %slice3A_172 = vector.extract_strided_slice %add3A_170 {offsets = [16, 0], sizes = [16, 384], strides = [1, 1]} : vector<32x384xf32> to vector<16x384xf32>
      %add3A_173 = arith.addf %slice3A_171, %slice3A_172 : vector<16x384xf32>
      %slice3A_174 = vector.extract_strided_slice %add3A_173 {offsets = [0, 0], sizes = [8, 384], strides = [1, 1]} : vector<16x384xf32> to vector<8x384xf32>
      %slice3A_175 = vector.extract_strided_slice %add3A_173 {offsets = [8, 0], sizes = [8, 384], strides = [1, 1]} : vector<16x384xf32> to vector<8x384xf32>
      %add3A_176 = arith.addf %slice3A_174, %slice3A_175 : vector<8x384xf32>
      %reduce_sum3A_177 = arith.constant dense<0.000000e+00> : vector<384xf32>
      %reduce_sum3A_178 = vector.multi_reduction <add>, %add3A_176, %reduce_sum3A_177 [0] : vector<8x384xf32> to vector<384xf32>
      %broadcast_in_dim3A_179 = vector.shape_cast %reduce_sum3A_178 : vector<384xf32> to vector<1x384xf32>
      %swap3A_180 = arith.index_cast %scan3A_82 : i32 to index
      %swap3A_181 = arith.constant 0 : index
      %swap3A_182 = vector.load %arg16[%swap3A_180, %swap3A_181] : memref<1000x128xf32, #tpu.memory_space<vmem>>, vector<1x128xf32>
      tpu.vector_store %arg16[%swap3A_180, %swap3A_181], %add3A_161 {strides = array<i32>} : memref<1000x128xf32, #tpu.memory_space<vmem>>, vector<1x128xf32>,
      %swap3A_183 = arith.index_cast %scan3A_82 : i32 to index
      %swap3A_184 = arith.constant 0 : index
      %swap3A_185 = vector.load %arg12[%swap3A_183, %swap3A_184] : memref<1000x128xf32, #tpu.memory_space<vmem>>, vector<1x128xf32>
      tpu.vector_store %arg12[%swap3A_183, %swap3A_184], %add3A_113 {strides = array<i32>} : memref<1000x128xf32, #tpu.memory_space<vmem>>, vector<1x128xf32>,
      %scan3A_186 = arith.constant 1 : i32
      %scan3A_187 = arith.addi %scan3A_82, %scan3A_186 : i32
      %get3A_188 = arith.index_cast %scan3A_187 : i32 to index
      %get3A_189 = arith.constant 0 : index
      %get3A_190 = vector.load %arg15[%get3A_188, %get3A_189] : memref<1000x384xf32, #tpu.memory_space<vmem>>, vector<1x384xf32>
      %slice3A_191 = vector.extract_strided_slice %broadcast_in_dim3A_179 {offsets = [0, 0], sizes = [1, 128], strides = [1, 1]} : vector<1x384xf32> to vector<1x128xf32>
      %slice3A_192 = vector.extract_strided_slice %broadcast_in_dim3A_179 {offsets = [0, 128], sizes = [1, 128], strides = [1, 1]} : vector<1x384xf32> to vector<1x128xf32>
      %slice3A_193 = vector.extract_strided_slice %broadcast_in_dim3A_179 {offsets = [0, 256], sizes = [1, 128], strides = [1, 1]} : vector<1x384xf32> to vector<1x128xf32>
      %add3A_194 = arith.addf %slice3A_193, %get3A_27 : vector<1x128xf32>
      %slice3A_195 = vector.extract_strided_slice %get3A_190 {offsets = [0, 0], sizes = [1, 128], strides = [1, 1]} : vector<1x384xf32> to vector<1x128xf32>
      %add3A_196 = arith.addf %slice3A_195, %slice3A_191 : vector<1x128xf32>
      %tanh3A_197 = math.tanh %add3A_196 : vector<1x128xf32>
      %mul3A_198 = arith.constant 5.000000e-01 : f32
      %mul3A_199 = vector.broadcast %mul3A_198 : f32 to vector<1x128xf32>
      %mul3A_200 = arith.mulf %mul3A_199, %tanh3A_197 : vector<1x128xf32>
      %add3A_201 = arith.constant 5.000000e-01 : f32
      %add3A_202 = vector.broadcast %add3A_201 : f32 to vector<1x128xf32>
      %add3A_203 = arith.addf %add3A_202, %mul3A_200 : vector<1x128xf32>
      %slice3A_204 = vector.extract_strided_slice %get3A_190 {offsets = [0, 128], sizes = [1, 128], strides = [1, 1]} : vector<1x384xf32> to vector<1x128xf32>
      %add3A_205 = arith.addf %slice3A_204, %slice3A_192 : vector<1x128xf32>
      %tanh3A_206 = math.tanh %add3A_205 : vector<1x128xf32>
      %mul3A_207 = arith.constant 5.000000e-01 : f32
      %mul3A_208 = vector.broadcast %mul3A_207 : f32 to vector<1x128xf32>
      %mul3A_209 = arith.mulf %mul3A_208, %tanh3A_206 : vector<1x128xf32>
      %add3A_210 = arith.constant 5.000000e-01 : f32
      %add3A_211 = vector.broadcast %add3A_210 : f32 to vector<1x128xf32>
      %add3A_212 = arith.addf %add3A_211, %mul3A_209 : vector<1x128xf32>
      %slice3A_213 = vector.extract_strided_slice %get3A_190 {offsets = [0, 256], sizes = [1, 128], strides = [1, 1]} : vector<1x384xf32> to vector<1x128xf32>
      %mul3A_214 = arith.mulf %add3A_203, %add3A_194 : vector<1x128xf32>
      %add3A_215 = arith.addf %slice3A_213, %mul3A_214 : vector<1x128xf32>
      %tanh3A_216 = math.tanh %add3A_215 : vector<1x128xf32>
      %sub3A_217 = arith.subf %add3A_113, %tanh3A_216 : vector<1x128xf32>
      %mul3A_218 = arith.mulf %add3A_212, %sub3A_217 : vector<1x128xf32>
      %add3A_219 = arith.addf %tanh3A_216, %mul3A_218 : vector<1x128xf32>
      %reshape3A_220 = vector.shape_cast %add3A_161 : vector<1x128xf32> to vector<128x1xf32>
      %mul3A_221 = vector.broadcast %reshape3A_220 : vector<128x1xf32> to vector<128x384xf32>
      %mul3A_222 = arith.mulf %mul3A_221, %get3A_18 : vector<128x384xf32>
      %slice3A_223 = vector.extract_strided_slice %mul3A_222 {offsets = [0, 0], sizes = [64, 384], strides = [1, 1]} : vector<128x384xf32> to vector<64x384xf32>
      %slice3A_224 = vector.extract_strided_slice %mul3A_222 {offsets = [64, 0], sizes = [64, 384], strides = [1, 1]} : vector<128x384xf32> to vector<64x384xf32>
      %add3A_225 = arith.addf %slice3A_223, %slice3A_224 : vector<64x384xf32>
      %slice3A_226 = vector.extract_strided_slice %add3A_225 {offsets = [0, 0], sizes = [32, 384], strides = [1, 1]} : vector<64x384xf32> to vector<32x384xf32>
      %slice3A_227 = vector.extract_strided_slice %add3A_225 {offsets = [32, 0], sizes = [32, 384], strides = [1, 1]} : vector<64x384xf32> to vector<32x384xf32>
      %add3A_228 = arith.addf %slice3A_226, %slice3A_227 : vector<32x384xf32>
      %slice3A_229 = vector.extract_strided_slice %add3A_228 {offsets = [0, 0], sizes = [16, 384], strides = [1, 1]} : vector<32x384xf32> to vector<16x384xf32>
      %slice3A_230 = vector.extract_strided_slice %add3A_228 {offsets = [16, 0], sizes = [16, 384], strides = [1, 1]} : vector<32x384xf32> to vector<16x384xf32>
      %add3A_231 = arith.addf %slice3A_229, %slice3A_230 : vector<16x384xf32>
      %slice3A_232 = vector.extract_strided_slice %add3A_231 {offsets = [0, 0], sizes = [8, 384], strides = [1, 1]} : vector<16x384xf32> to vector<8x384xf32>
      %slice3A_233 = vector.extract_strided_slice %add3A_231 {offsets = [8, 0], sizes = [8, 384], strides = [1, 1]} : vector<16x384xf32> to vector<8x384xf32>
      %add3A_234 = arith.addf %slice3A_232, %slice3A_233 : vector<8x384xf32>
      %reduce_sum3A_235 = arith.constant dense<0.000000e+00> : vector<384xf32>
      %reduce_sum3A_236 = vector.multi_reduction <add>, %add3A_234, %reduce_sum3A_235 [0] : vector<8x384xf32> to vector<384xf32>
      %broadcast_in_dim3A_237 = vector.shape_cast %reduce_sum3A_236 : vector<384xf32> to vector<1x384xf32>
      %get3A_238 = arith.index_cast %scan3A_187 : i32 to index
      %get3A_239 = arith.constant 0 : index
      %get3A_240 = vector.load %arg14[%get3A_238, %get3A_239] : memref<1000x384xf32, #tpu.memory_space<vmem>>, vector<1x384xf32>
      %slice3A_241 = vector.extract_strided_slice %broadcast_in_dim3A_237 {offsets = [0, 0], sizes = [1, 128], strides = [1, 1]} : vector<1x384xf32> to vector<1x128xf32>
      %slice3A_242 = vector.extract_strided_slice %broadcast_in_dim3A_237 {offsets = [0, 128], sizes = [1, 128], strides = [1, 1]} : vector<1x384xf32> to vector<1x128xf32>
      %slice3A_243 = vector.extract_strided_slice %broadcast_in_dim3A_237 {offsets = [0, 256], sizes = [1, 128], strides = [1, 1]} : vector<1x384xf32> to vector<1x128xf32>
      %add3A_244 = arith.addf %slice3A_243, %get3A_24 : vector<1x128xf32>
      %slice3A_245 = vector.extract_strided_slice %get3A_240 {offsets = [0, 0], sizes = [1, 128], strides = [1, 1]} : vector<1x384xf32> to vector<1x128xf32>
      %add3A_246 = arith.addf %slice3A_245, %slice3A_241 : vector<1x128xf32>
      %tanh3A_247 = math.tanh %add3A_246 : vector<1x128xf32>
      %mul3A_248 = arith.constant 5.000000e-01 : f32
      %mul3A_249 = vector.broadcast %mul3A_248 : f32 to vector<1x128xf32>
      %mul3A_250 = arith.mulf %mul3A_249, %tanh3A_247 : vector<1x128xf32>
      %add3A_251 = arith.constant 5.000000e-01 : f32
      %add3A_252 = vector.broadcast %add3A_251 : f32 to vector<1x128xf32>
      %add3A_253 = arith.addf %add3A_252, %mul3A_250 : vector<1x128xf32>
      %slice3A_254 = vector.extract_strided_slice %get3A_240 {offsets = [0, 128], sizes = [1, 128], strides = [1, 1]} : vector<1x384xf32> to vector<1x128xf32>
      %add3A_255 = arith.addf %slice3A_254, %slice3A_242 : vector<1x128xf32>
      %tanh3A_256 = math.tanh %add3A_255 : vector<1x128xf32>
      %mul3A_257 = arith.constant 5.000000e-01 : f32
      %mul3A_258 = vector.broadcast %mul3A_257 : f32 to vector<1x128xf32>
      %mul3A_259 = arith.mulf %mul3A_258, %tanh3A_256 : vector<1x128xf32>
      %add3A_260 = arith.constant 5.000000e-01 : f32
      %add3A_261 = vector.broadcast %add3A_260 : f32 to vector<1x128xf32>
      %add3A_262 = arith.addf %add3A_261, %mul3A_259 : vector<1x128xf32>
      %slice3A_263 = vector.extract_strided_slice %get3A_240 {offsets = [0, 256], sizes = [1, 128], strides = [1, 1]} : vector<1x384xf32> to vector<1x128xf32>
      %mul3A_264 = arith.mulf %add3A_253, %add3A_244 : vector<1x128xf32>
      %add3A_265 = arith.addf %slice3A_263, %mul3A_264 : vector<1x128xf32>
      %tanh3A_266 = math.tanh %add3A_265 : vector<1x128xf32>
      %sub3A_267 = arith.subf %add3A_161, %tanh3A_266 : vector<1x128xf32>
      %mul3A_268 = arith.mulf %add3A_262, %sub3A_267 : vector<1x128xf32>
      %add3A_269 = arith.addf %tanh3A_266, %mul3A_268 : vector<1x128xf32>
      %reshape3A_270 = vector.shape_cast %add3A_219 : vector<1x128xf32> to vector<128x1xf32>
      %mul3A_271 = vector.broadcast %reshape3A_270 : vector<128x1xf32> to vector<128x384xf32>
      %mul3A_272 = arith.mulf %mul3A_271, %get3A_21 : vector<128x384xf32>
      %slice3A_273 = vector.extract_strided_slice %mul3A_272 {offsets = [0, 0], sizes = [64, 384], strides = [1, 1]} : vector<128x384xf32> to vector<64x384xf32>
      %slice3A_274 = vector.extract_strided_slice %mul3A_272 {offsets = [64, 0], sizes = [64, 384], strides = [1, 1]} : vector<128x384xf32> to vector<64x384xf32>
      %add3A_275 = arith.addf %slice3A_273, %slice3A_274 : vector<64x384xf32>
      %slice3A_276 = vector.extract_strided_slice %add3A_275 {offsets = [0, 0], sizes = [32, 384], strides = [1, 1]} : vector<64x384xf32> to vector<32x384xf32>
      %slice3A_277 = vector.extract_strided_slice %add3A_275 {offsets = [32, 0], sizes = [32, 384], strides = [1, 1]} : vector<64x384xf32> to vector<32x384xf32>
      %add3A_278 = arith.addf %slice3A_276, %slice3A_277 : vector<32x384xf32>
      %slice3A_279 = vector.extract_strided_slice %add3A_278 {offsets = [0, 0], sizes = [16, 384], strides = [1, 1]} : vector<32x384xf32> to vector<16x384xf32>
      %slice3A_280 = vector.extract_strided_slice %add3A_278 {offsets = [16, 0], sizes = [16, 384], strides = [1, 1]} : vector<32x384xf32> to vector<16x384xf32>
      %add3A_281 = arith.addf %slice3A_279, %slice3A_280 : vector<16x384xf32>
      %slice3A_282 = vector.extract_strided_slice %add3A_281 {offsets = [0, 0], sizes = [8, 384], strides = [1, 1]} : vector<16x384xf32> to vector<8x384xf32>
      %slice3A_283 = vector.extract_strided_slice %add3A_281 {offsets = [8, 0], sizes = [8, 384], strides = [1, 1]} : vector<16x384xf32> to vector<8x384xf32>
      %add3A_284 = arith.addf %slice3A_282, %slice3A_283 : vector<8x384xf32>
      %reduce_sum3A_285 = arith.constant dense<0.000000e+00> : vector<384xf32>
      %reduce_sum3A_286 = vector.multi_reduction <add>, %add3A_284, %reduce_sum3A_285 [0] : vector<8x384xf32> to vector<384xf32>
      %broadcast_in_dim3A_287 = vector.shape_cast %reduce_sum3A_286 : vector<384xf32> to vector<1x384xf32>
      %swap3A_288 = arith.index_cast %scan3A_187 : i32 to index
      %swap3A_289 = arith.constant 0 : index
      %swap3A_290 = vector.load %arg16[%swap3A_288, %swap3A_289] : memref<1000x128xf32, #tpu.memory_space<vmem>>, vector<1x128xf32>
      tpu.vector_store %arg16[%swap3A_288, %swap3A_289], %add3A_269 {strides = array<i32>} : memref<1000x128xf32, #tpu.memory_space<vmem>>, vector<1x128xf32>,
      %swap3A_291 = arith.index_cast %scan3A_187 : i32 to index
      %swap3A_292 = arith.constant 0 : index
      %swap3A_293 = vector.load %arg12[%swap3A_291, %swap3A_292] : memref<1000x128xf32, #tpu.memory_space<vmem>>, vector<1x128xf32>
      tpu.vector_store %arg12[%swap3A_291, %swap3A_292], %add3A_219 {strides = array<i32>} : memref<1000x128xf32, #tpu.memory_space<vmem>>, vector<1x128xf32>,
      %scan3A_294 = arith.constant 2 : i32
      %scan3A_295 = arith.addi %scan3A_82, %scan3A_294 : i32
      %get3A_296 = arith.index_cast %scan3A_295 : i32 to index
      %get3A_297 = arith.constant 0 : index
      %get3A_298 = vector.load %arg15[%get3A_296, %get3A_297] : memref<1000x384xf32, #tpu.memory_space<vmem>>, vector<1x384xf32>
      %slice3A_299 = vector.extract_strided_slice %broadcast_in_dim3A_287 {offsets = [0, 0], sizes = [1, 128], strides = [1, 1]} : vector<1x384xf32> to vector<1x128xf32>
      %slice3A_300 = vector.extract_strided_slice %broadcast_in_dim3A_287 {offsets = [0, 128], sizes = [1, 128], strides = [1, 1]} : vector<1x384xf32> to vector<1x128xf32>
      %slice3A_301 = vector.extract_strided_slice %broadcast_in_dim3A_287 {offsets = [0, 256], sizes = [1, 128], strides = [1, 1]} : vector<1x384xf32> to vector<1x128xf32>
      %add3A_302 = arith.addf %slice3A_301, %get3A_27 : vector<1x128xf32>
      %slice3A_303 = vector.extract_strided_slice %get3A_298 {offsets = [0, 0], sizes = [1, 128], strides = [1, 1]} : vector<1x384xf32> to vector<1x128xf32>
      %add3A_304 = arith.addf %slice3A_303, %slice3A_299 : vector<1x128xf32>
      %tanh3A_305 = math.tanh %add3A_304 : vector<1x128xf32>
      %mul3A_306 = arith.constant 5.000000e-01 : f32
      %mul3A_307 = vector.broadcast %mul3A_306 : f32 to vector<1x128xf32>
      %mul3A_308 = arith.mulf %mul3A_307, %tanh3A_305 : vector<1x128xf32>
      %add3A_309 = arith.constant 5.000000e-01 : f32
      %add3A_310 = vector.broadcast %add3A_309 : f32 to vector<1x128xf32>
      %add3A_311 = arith.addf %add3A_310, %mul3A_308 : vector<1x128xf32>
      %slice3A_312 = vector.extract_strided_slice %get3A_298 {offsets = [0, 128], sizes = [1, 128], strides = [1, 1]} : vector<1x384xf32> to vector<1x128xf32>
      %add3A_313 = arith.addf %slice3A_312, %slice3A_300 : vector<1x128xf32>
      %tanh3A_314 = math.tanh %add3A_313 : vector<1x128xf32>
      %mul3A_315 = arith.constant 5.000000e-01 : f32
      %mul3A_316 = vector.broadcast %mul3A_315 : f32 to vector<1x128xf32>
      %mul3A_317 = arith.mulf %mul3A_316, %tanh3A_314 : vector<1x128xf32>
      %add3A_318 = arith.constant 5.000000e-01 : f32
      %add3A_319 = vector.broadcast %add3A_318 : f32 to vector<1x128xf32>
      %add3A_320 = arith.addf %add3A_319, %mul3A_317 : vector<1x128xf32>
      %slice3A_321 = vector.extract_strided_slice %get3A_298 {offsets = [0, 256], sizes = [1, 128], strides = [1, 1]} : vector<1x384xf32> to vector<1x128xf32>
      %mul3A_322 = arith.mulf %add3A_311, %add3A_302 : vector<1x128xf32>
      %add3A_323 = arith.addf %slice3A_321, %mul3A_322 : vector<1x128xf32>
      %tanh3A_324 = math.tanh %add3A_323 : vector<1x128xf32>
      %sub3A_325 = arith.subf %add3A_219, %tanh3A_324 : vector<1x128xf32>
      %mul3A_326 = arith.mulf %add3A_320, %sub3A_325 : vector<1x128xf32>
      %add3A_327 = arith.addf %tanh3A_324, %mul3A_326 : vector<1x128xf32>
      %reshape3A_328 = vector.shape_cast %add3A_269 : vector<1x128xf32> to vector<128x1xf32>
      %mul3A_329 = vector.broadcast %reshape3A_328 : vector<128x1xf32> to vector<128x384xf32>
      %mul3A_330 = arith.mulf %mul3A_329, %get3A_18 : vector<128x384xf32>
      %slice3A_331 = vector.extract_strided_slice %mul3A_330 {offsets = [0, 0], sizes = [64, 384], strides = [1, 1]} : vector<128x384xf32> to vector<64x384xf32>
      %slice3A_332 = vector.extract_strided_slice %mul3A_330 {offsets = [64, 0], sizes = [64, 384], strides = [1, 1]} : vector<128x384xf32> to vector<64x384xf32>
      %add3A_333 = arith.addf %slice3A_331, %slice3A_332 : vector<64x384xf32>
      %slice3A_334 = vector.extract_strided_slice %add3A_333 {offsets = [0, 0], sizes = [32, 384], strides = [1, 1]} : vector<64x384xf32> to vector<32x384xf32>
      %slice3A_335 = vector.extract_strided_slice %add3A_333 {offsets = [32, 0], sizes = [32, 384], strides = [1, 1]} : vector<64x384xf32> to vector<32x384xf32>
      %add3A_336 = arith.addf %slice3A_334, %slice3A_335 : vector<32x384xf32>
      %slice3A_337 = vector.extract_strided_slice %add3A_336 {offsets = [0, 0], sizes = [16, 384], strides = [1, 1]} : vector<32x384xf32> to vector<16x384xf32>
      %slice3A_338 = vector.extract_strided_slice %add3A_336 {offsets = [16, 0], sizes = [16, 384], strides = [1, 1]} : vector<32x384xf32> to vector<16x384xf32>
      %add3A_339 = arith.addf %slice3A_337, %slice3A_338 : vector<16x384xf32>
      %slice3A_340 = vector.extract_strided_slice %add3A_339 {offsets = [0, 0], sizes = [8, 384], strides = [1, 1]} : vector<16x384xf32> to vector<8x384xf32>
      %slice3A_341 = vector.extract_strided_slice %add3A_339 {offsets = [8, 0], sizes = [8, 384], strides = [1, 1]} : vector<16x384xf32> to vector<8x384xf32>
      %add3A_342 = arith.addf %slice3A_340, %slice3A_341 : vector<8x384xf32>
      %reduce_sum3A_343 = arith.constant dense<0.000000e+00> : vector<384xf32>
      %reduce_sum3A_344 = vector.multi_reduction <add>, %add3A_342, %reduce_sum3A_343 [0] : vector<8x384xf32> to vector<384xf32>
      %broadcast_in_dim3A_345 = vector.shape_cast %reduce_sum3A_344 : vector<384xf32> to vector<1x384xf32>
      %get3A_346 = arith.index_cast %scan3A_295 : i32 to index
      %get3A_347 = arith.constant 0 : index
      %get3A_348 = vector.load %arg14[%get3A_346, %get3A_347] : memref<1000x384xf32, #tpu.memory_space<vmem>>, vector<1x384xf32>
      %slice3A_349 = vector.extract_strided_slice %broadcast_in_dim3A_345 {offsets = [0, 0], sizes = [1, 128], strides = [1, 1]} : vector<1x384xf32> to vector<1x128xf32>
      %slice3A_350 = vector.extract_strided_slice %broadcast_in_dim3A_345 {offsets = [0, 128], sizes = [1, 128], strides = [1, 1]} : vector<1x384xf32> to vector<1x128xf32>
      %slice3A_351 = vector.extract_strided_slice %broadcast_in_dim3A_345 {offsets = [0, 256], sizes = [1, 128], strides = [1, 1]} : vector<1x384xf32> to vector<1x128xf32>
      %add3A_352 = arith.addf %slice3A_351, %get3A_24 : vector<1x128xf32>
      %slice3A_353 = vector.extract_strided_slice %get3A_348 {offsets = [0, 0], sizes = [1, 128], strides = [1, 1]} : vector<1x384xf32> to vector<1x128xf32>
      %add3A_354 = arith.addf %slice3A_353, %slice3A_349 : vector<1x128xf32>
      %tanh3A_355 = math.tanh %add3A_354 : vector<1x128xf32>
      %mul3A_356 = arith.constant 5.000000e-01 : f32
      %mul3A_357 = vector.broadcast %mul3A_356 : f32 to vector<1x128xf32>
      %mul3A_358 = arith.mulf %mul3A_357, %tanh3A_355 : vector<1x128xf32>
      %add3A_359 = arith.constant 5.000000e-01 : f32
      %add3A_360 = vector.broadcast %add3A_359 : f32 to vector<1x128xf32>
      %add3A_361 = arith.addf %add3A_360, %mul3A_358 : vector<1x128xf32>
      %slice3A_362 = vector.extract_strided_slice %get3A_348 {offsets = [0, 128], sizes = [1, 128], strides = [1, 1]} : vector<1x384xf32> to vector<1x128xf32>
      %add3A_363 = arith.addf %slice3A_362, %slice3A_350 : vector<1x128xf32>
      %tanh3A_364 = math.tanh %add3A_363 : vector<1x128xf32>
      %mul3A_365 = arith.constant 5.000000e-01 : f32
      %mul3A_366 = vector.broadcast %mul3A_365 : f32 to vector<1x128xf32>
      %mul3A_367 = arith.mulf %mul3A_366, %tanh3A_364 : vector<1x128xf32>
      %add3A_368 = arith.constant 5.000000e-01 : f32
      %add3A_369 = vector.broadcast %add3A_368 : f32 to vector<1x128xf32>
      %add3A_370 = arith.addf %add3A_369, %mul3A_367 : vector<1x128xf32>
      %slice3A_371 = vector.extract_strided_slice %get3A_348 {offsets = [0, 256], sizes = [1, 128], strides = [1, 1]} : vector<1x384xf32> to vector<1x128xf32>
      %mul3A_372 = arith.mulf %add3A_361, %add3A_352 : vector<1x128xf32>
      %add3A_373 = arith.addf %slice3A_371, %mul3A_372 : vector<1x128xf32>
      %tanh3A_374 = math.tanh %add3A_373 : vector<1x128xf32>
      %sub3A_375 = arith.subf %add3A_269, %tanh3A_374 : vector<1x128xf32>
      %mul3A_376 = arith.mulf %add3A_370, %sub3A_375 : vector<1x128xf32>
      %add3A_377 = arith.addf %tanh3A_374, %mul3A_376 : vector<1x128xf32>
      %reshape3A_378 = vector.shape_cast %add3A_327 : vector<1x128xf32> to vector<128x1xf32>
      %mul3A_379 = vector.broadcast %reshape3A_378 : vector<128x1xf32> to vector<128x384xf32>
      %mul3A_380 = arith.mulf %mul3A_379, %get3A_21 : vector<128x384xf32>
      %slice3A_381 = vector.extract_strided_slice %mul3A_380 {offsets = [0, 0], sizes = [64, 384], strides = [1, 1]} : vector<128x384xf32> to vector<64x384xf32>
      %slice3A_382 = vector.extract_strided_slice %mul3A_380 {offsets = [64, 0], sizes = [64, 384], strides = [1, 1]} : vector<128x384xf32> to vector<64x384xf32>
      %add3A_383 = arith.addf %slice3A_381, %slice3A_382 : vector<64x384xf32>
      %slice3A_384 = vector.extract_strided_slice %add3A_383 {offsets = [0, 0], sizes = [32, 384], strides = [1, 1]} : vector<64x384xf32> to vector<32x384xf32>
      %slice3A_385 = vector.extract_strided_slice %add3A_383 {offsets = [32, 0], sizes = [32, 384], strides = [1, 1]} : vector<64x384xf32> to vector<32x384xf32>
      %add3A_386 = arith.addf %slice3A_384, %slice3A_385 : vector<32x384xf32>
      %slice3A_387 = vector.extract_strided_slice %add3A_386 {offsets = [0, 0], sizes = [16, 384], strides = [1, 1]} : vector<32x384xf32> to vector<16x384xf32>
      %slice3A_388 = vector.extract_strided_slice %add3A_386 {offsets = [16, 0], sizes = [16, 384], strides = [1, 1]} : vector<32x384xf32> to vector<16x384xf32>
      %add3A_389 = arith.addf %slice3A_387, %slice3A_388 : vector<16x384xf32>
      %slice3A_390 = vector.extract_strided_slice %add3A_389 {offsets = [0, 0], sizes = [8, 384], strides = [1, 1]} : vector<16x384xf32> to vector<8x384xf32>
      %slice3A_391 = vector.extract_strided_slice %add3A_389 {offsets = [8, 0], sizes = [8, 384], strides = [1, 1]} : vector<16x384xf32> to vector<8x384xf32>
      %add3A_392 = arith.addf %slice3A_390, %slice3A_391 : vector<8x384xf32>
      %reduce_sum3A_393 = arith.constant dense<0.000000e+00> : vector<384xf32>
      %reduce_sum3A_394 = vector.multi_reduction <add>, %add3A_392, %reduce_sum3A_393 [0] : vector<8x384xf32> to vector<384xf32>
      %broadcast_in_dim3A_395 = vector.shape_cast %reduce_sum3A_394 : vector<384xf32> to vector<1x384xf32>
      %swap3A_396 = arith.index_cast %scan3A_295 : i32 to index
      %swap3A_397 = arith.constant 0 : index
      %swap3A_398 = vector.load %arg16[%swap3A_396, %swap3A_397] : memref<1000x128xf32, #tpu.memory_space<vmem>>, vector<1x128xf32>
      tpu.vector_store %arg16[%swap3A_396, %swap3A_397], %add3A_377 {strides = array<i32>} : memref<1000x128xf32, #tpu.memory_space<vmem>>, vector<1x128xf32>,
      %swap3A_399 = arith.index_cast %scan3A_295 : i32 to index
      %swap3A_400 = arith.constant 0 : index
      %swap3A_401 = vector.load %arg12[%swap3A_399, %swap3A_400] : memref<1000x128xf32, #tpu.memory_space<vmem>>, vector<1x128xf32>
      tpu.vector_store %arg12[%swap3A_399, %swap3A_400], %add3A_327 {strides = array<i32>} : memref<1000x128xf32, #tpu.memory_space<vmem>>, vector<1x128xf32>,
      %scan3A_402 = arith.constant 3 : i32
      %scan3A_403 = arith.addi %scan3A_82, %scan3A_402 : i32
      %get3A_404 = arith.index_cast %scan3A_403 : i32 to index
      %get3A_405 = arith.constant 0 : index
      %get3A_406 = vector.load %arg15[%get3A_404, %get3A_405] : memref<1000x384xf32, #tpu.memory_space<vmem>>, vector<1x384xf32>
      %slice3A_407 = vector.extract_strided_slice %broadcast_in_dim3A_395 {offsets = [0, 0], sizes = [1, 128], strides = [1, 1]} : vector<1x384xf32> to vector<1x128xf32>
      %slice3A_408 = vector.extract_strided_slice %broadcast_in_dim3A_395 {offsets = [0, 128], sizes = [1, 128], strides = [1, 1]} : vector<1x384xf32> to vector<1x128xf32>
      %slice3A_409 = vector.extract_strided_slice %broadcast_in_dim3A_395 {offsets = [0, 256], sizes = [1, 128], strides = [1, 1]} : vector<1x384xf32> to vector<1x128xf32>
      %add3A_410 = arith.addf %slice3A_409, %get3A_27 : vector<1x128xf32>
      %slice3A_411 = vector.extract_strided_slice %get3A_406 {offsets = [0, 0], sizes = [1, 128], strides = [1, 1]} : vector<1x384xf32> to vector<1x128xf32>
      %add3A_412 = arith.addf %slice3A_411, %slice3A_407 : vector<1x128xf32>
      %tanh3A_413 = math.tanh %add3A_412 : vector<1x128xf32>
      %mul3A_414 = arith.constant 5.000000e-01 : f32
      %mul3A_415 = vector.broadcast %mul3A_414 : f32 to vector<1x128xf32>
      %mul3A_416 = arith.mulf %mul3A_415, %tanh3A_413 : vector<1x128xf32>
      %add3A_417 = arith.constant 5.000000e-01 : f32
      %add3A_418 = vector.broadcast %add3A_417 : f32 to vector<1x128xf32>
      %add3A_419 = arith.addf %add3A_418, %mul3A_416 : vector<1x128xf32>
      %slice3A_420 = vector.extract_strided_slice %get3A_406 {offsets = [0, 128], sizes = [1, 128], strides = [1, 1]} : vector<1x384xf32> to vector<1x128xf32>
      %add3A_421 = arith.addf %slice3A_420, %slice3A_408 : vector<1x128xf32>
      %tanh3A_422 = math.tanh %add3A_421 : vector<1x128xf32>
      %mul3A_423 = arith.constant 5.000000e-01 : f32
      %mul3A_424 = vector.broadcast %mul3A_423 : f32 to vector<1x128xf32>
      %mul3A_425 = arith.mulf %mul3A_424, %tanh3A_422 : vector<1x128xf32>
      %add3A_426 = arith.constant 5.000000e-01 : f32
      %add3A_427 = vector.broadcast %add3A_426 : f32 to vector<1x128xf32>
      %add3A_428 = arith.addf %add3A_427, %mul3A_425 : vector<1x128xf32>
      %slice3A_429 = vector.extract_strided_slice %get3A_406 {offsets = [0, 256], sizes = [1, 128], strides = [1, 1]} : vector<1x384xf32> to vector<1x128xf32>
      %mul3A_430 = arith.mulf %add3A_419, %add3A_410 : vector<1x128xf32>
      %add3A_431 = arith.addf %slice3A_429, %mul3A_430 : vector<1x128xf32>
      %tanh3A_432 = math.tanh %add3A_431 : vector<1x128xf32>
      %sub3A_433 = arith.subf %add3A_327, %tanh3A_432 : vector<1x128xf32>
      %mul3A_434 = arith.mulf %add3A_428, %sub3A_433 : vector<1x128xf32>
      %add3A_435 = arith.addf %tanh3A_432, %mul3A_434 : vector<1x128xf32>
      %reshape3A_436 = vector.shape_cast %add3A_377 : vector<1x128xf32> to vector<128x1xf32>
      %mul3A_437 = vector.broadcast %reshape3A_436 : vector<128x1xf32> to vector<128x384xf32>
      %mul3A_438 = arith.mulf %mul3A_437, %get3A_18 : vector<128x384xf32>
      %slice3A_439 = vector.extract_strided_slice %mul3A_438 {offsets = [0, 0], sizes = [64, 384], strides = [1, 1]} : vector<128x384xf32> to vector<64x384xf32>
      %slice3A_440 = vector.extract_strided_slice %mul3A_438 {offsets = [64, 0], sizes = [64, 384], strides = [1, 1]} : vector<128x384xf32> to vector<64x384xf32>
      %add3A_441 = arith.addf %slice3A_439, %slice3A_440 : vector<64x384xf32>
      %slice3A_442 = vector.extract_strided_slice %add3A_441 {offsets = [0, 0], sizes = [32, 384], strides = [1, 1]} : vector<64x384xf32> to vector<32x384xf32>
      %slice3A_443 = vector.extract_strided_slice %add3A_441 {offsets = [32, 0], sizes = [32, 384], strides = [1, 1]} : vector<64x384xf32> to vector<32x384xf32>
      %add3A_444 = arith.addf %slice3A_442, %slice3A_443 : vector<32x384xf32>
      %slice3A_445 = vector.extract_strided_slice %add3A_444 {offsets = [0, 0], sizes = [16, 384], strides = [1, 1]} : vector<32x384xf32> to vector<16x384xf32>
      %slice3A_446 = vector.extract_strided_slice %add3A_444 {offsets = [16, 0], sizes = [16, 384], strides = [1, 1]} : vector<32x384xf32> to vector<16x384xf32>
      %add3A_447 = arith.addf %slice3A_445, %slice3A_446 : vector<16x384xf32>
      %slice3A_448 = vector.extract_strided_slice %add3A_447 {offsets = [0, 0], sizes = [8, 384], strides = [1, 1]} : vector<16x384xf32> to vector<8x384xf32>
      %slice3A_449 = vector.extract_strided_slice %add3A_447 {offsets = [8, 0], sizes = [8, 384], strides = [1, 1]} : vector<16x384xf32> to vector<8x384xf32>
      %add3A_450 = arith.addf %slice3A_448, %slice3A_449 : vector<8x384xf32>
      %reduce_sum3A_451 = arith.constant dense<0.000000e+00> : vector<384xf32>
      %reduce_sum3A_452 = vector.multi_reduction <add>, %add3A_450, %reduce_sum3A_451 [0] : vector<8x384xf32> to vector<384xf32>
      %broadcast_in_dim3A_453 = vector.shape_cast %reduce_sum3A_452 : vector<384xf32> to vector<1x384xf32>
      %get3A_454 = arith.index_cast %scan3A_403 : i32 to index
      %get3A_455 = arith.constant 0 : index
      %get3A_456 = vector.load %arg14[%get3A_454, %get3A_455] : memref<1000x384xf32, #tpu.memory_space<vmem>>, vector<1x384xf32>
      %slice3A_457 = vector.extract_strided_slice %broadcast_in_dim3A_453 {offsets = [0, 0], sizes = [1, 128], strides = [1, 1]} : vector<1x384xf32> to vector<1x128xf32>
      %slice3A_458 = vector.extract_strided_slice %broadcast_in_dim3A_453 {offsets = [0, 128], sizes = [1, 128], strides = [1, 1]} : vector<1x384xf32> to vector<1x128xf32>
      %slice3A_459 = vector.extract_strided_slice %broadcast_in_dim3A_453 {offsets = [0, 256], sizes = [1, 128], strides = [1, 1]} : vector<1x384xf32> to vector<1x128xf32>
      %add3A_460 = arith.addf %slice3A_459, %get3A_24 : vector<1x128xf32>
      %slice3A_461 = vector.extract_strided_slice %get3A_456 {offsets = [0, 0], sizes = [1, 128], strides = [1, 1]} : vector<1x384xf32> to vector<1x128xf32>
      %add3A_462 = arith.addf %slice3A_461, %slice3A_457 : vector<1x128xf32>
      %tanh3A_463 = math.tanh %add3A_462 : vector<1x128xf32>
      %mul3A_464 = arith.constant 5.000000e-01 : f32
      %mul3A_465 = vector.broadcast %mul3A_464 : f32 to vector<1x128xf32>
      %mul3A_466 = arith.mulf %mul3A_465, %tanh3A_463 : vector<1x128xf32>
      %add3A_467 = arith.constant 5.000000e-01 : f32
      %add3A_468 = vector.broadcast %add3A_467 : f32 to vector<1x128xf32>
      %add3A_469 = arith.addf %add3A_468, %mul3A_466 : vector<1x128xf32>
      %slice3A_470 = vector.extract_strided_slice %get3A_456 {offsets = [0, 128], sizes = [1, 128], strides = [1, 1]} : vector<1x384xf32> to vector<1x128xf32>
      %add3A_471 = arith.addf %slice3A_470, %slice3A_458 : vector<1x128xf32>
      %tanh3A_472 = math.tanh %add3A_471 : vector<1x128xf32>
      %mul3A_473 = arith.constant 5.000000e-01 : f32
      %mul3A_474 = vector.broadcast %mul3A_473 : f32 to vector<1x128xf32>
      %mul3A_475 = arith.mulf %mul3A_474, %tanh3A_472 : vector<1x128xf32>
      %add3A_476 = arith.constant 5.000000e-01 : f32
      %add3A_477 = vector.broadcast %add3A_476 : f32 to vector<1x128xf32>
      %add3A_478 = arith.addf %add3A_477, %mul3A_475 : vector<1x128xf32>
      %slice3A_479 = vector.extract_strided_slice %get3A_456 {offsets = [0, 256], sizes = [1, 128], strides = [1, 1]} : vector<1x384xf32> to vector<1x128xf32>
      %mul3A_480 = arith.mulf %add3A_469, %add3A_460 : vector<1x128xf32>
      %add3A_481 = arith.addf %slice3A_479, %mul3A_480 : vector<1x128xf32>
      %tanh3A_482 = math.tanh %add3A_481 : vector<1x128xf32>
      %sub3A_483 = arith.subf %add3A_377, %tanh3A_482 : vector<1x128xf32>
      %mul3A_484 = arith.mulf %add3A_478, %sub3A_483 : vector<1x128xf32>
      %add3A_485 = arith.addf %tanh3A_482, %mul3A_484 : vector<1x128xf32>
      %reshape3A_486 = vector.shape_cast %add3A_435 : vector<1x128xf32> to vector<128x1xf32>
      %mul3A_487 = vector.broadcast %reshape3A_486 : vector<128x1xf32> to vector<128x384xf32>
      %mul3A_488 = arith.mulf %mul3A_487, %get3A_21 : vector<128x384xf32>
      %slice3A_489 = vector.extract_strided_slice %mul3A_488 {offsets = [0, 0], sizes = [64, 384], strides = [1, 1]} : vector<128x384xf32> to vector<64x384xf32>
      %slice3A_490 = vector.extract_strided_slice %mul3A_488 {offsets = [64, 0], sizes = [64, 384], strides = [1, 1]} : vector<128x384xf32> to vector<64x384xf32>
      %add3A_491 = arith.addf %slice3A_489, %slice3A_490 : vector<64x384xf32>
      %slice3A_492 = vector.extract_strided_slice %add3A_491 {offsets = [0, 0], sizes = [32, 384], strides = [1, 1]} : vector<64x384xf32> to vector<32x384xf32>
      %slice3A_493 = vector.extract_strided_slice %add3A_491 {offsets = [32, 0], sizes = [32, 384], strides = [1, 1]} : vector<64x384xf32> to vector<32x384xf32>
      %add3A_494 = arith.addf %slice3A_492, %slice3A_493 : vector<32x384xf32>
      %slice3A_495 = vector.extract_strided_slice %add3A_494 {offsets = [0, 0], sizes = [16, 384], strides = [1, 1]} : vector<32x384xf32> to vector<16x384xf32>
      %slice3A_496 = vector.extract_strided_slice %add3A_494 {offsets = [16, 0], sizes = [16, 384], strides = [1, 1]} : vector<32x384xf32> to vector<16x384xf32>
      %add3A_497 = arith.addf %slice3A_495, %slice3A_496 : vector<16x384xf32>
      %slice3A_498 = vector.extract_strided_slice %add3A_497 {offsets = [0, 0], sizes = [8, 384], strides = [1, 1]} : vector<16x384xf32> to vector<8x384xf32>
      %slice3A_499 = vector.extract_strided_slice %add3A_497 {offsets = [8, 0], sizes = [8, 384], strides = [1, 1]} : vector<16x384xf32> to vector<8x384xf32>
      %add3A_500 = arith.addf %slice3A_498, %slice3A_499 : vector<8x384xf32>
      %reduce_sum3A_501 = arith.constant dense<0.000000e+00> : vector<384xf32>
      %reduce_sum3A_502 = vector.multi_reduction <add>, %add3A_500, %reduce_sum3A_501 [0] : vector<8x384xf32> to vector<384xf32>
      %broadcast_in_dim3A_503 = vector.shape_cast %reduce_sum3A_502 : vector<384xf32> to vector<1x384xf32>
      %swap3A_504 = arith.index_cast %scan3A_403 : i32 to index
      %swap3A_505 = arith.constant 0 : index
      %swap3A_506 = vector.load %arg16[%swap3A_504, %swap3A_505] : memref<1000x128xf32, #tpu.memory_space<vmem>>, vector<1x128xf32>
      tpu.vector_store %arg16[%swap3A_504, %swap3A_505], %add3A_485 {strides = array<i32>} : memref<1000x128xf32, #tpu.memory_space<vmem>>, vector<1x128xf32>,
      %swap3A_507 = arith.index_cast %scan3A_403 : i32 to index
      %swap3A_508 = arith.constant 0 : index
      %swap3A_509 = vector.load %arg12[%swap3A_507, %swap3A_508] : memref<1000x128xf32, #tpu.memory_space<vmem>>, vector<1x128xf32>
      tpu.vector_store %arg12[%swap3A_507, %swap3A_508], %add3A_435 {strides = array<i32>} : memref<1000x128xf32, #tpu.memory_space<vmem>>, vector<1x128xf32>,
      %scan3A_510 = arith.constant 4 : i32
      %scan3A_511 = arith.addi %scan3A_82, %scan3A_510 : i32
      %get3A_512 = arith.index_cast %scan3A_511 : i32 to index
      %get3A_513 = arith.constant 0 : index
      %get3A_514 = vector.load %arg15[%get3A_512, %get3A_513] : memref<1000x384xf32, #tpu.memory_space<vmem>>, vector<1x384xf32>
      %slice3A_515 = vector.extract_strided_slice %broadcast_in_dim3A_503 {offsets = [0, 0], sizes = [1, 128], strides = [1, 1]} : vector<1x384xf32> to vector<1x128xf32>
      %slice3A_516 = vector.extract_strided_slice %broadcast_in_dim3A_503 {offsets = [0, 128], sizes = [1, 128], strides = [1, 1]} : vector<1x384xf32> to vector<1x128xf32>
      %slice3A_517 = vector.extract_strided_slice %broadcast_in_dim3A_503 {offsets = [0, 256], sizes = [1, 128], strides = [1, 1]} : vector<1x384xf32> to vector<1x128xf32>
      %add3A_518 = arith.addf %slice3A_517, %get3A_27 : vector<1x128xf32>
      %slice3A_519 = vector.extract_strided_slice %get3A_514 {offsets = [0, 0], sizes = [1, 128], strides = [1, 1]} : vector<1x384xf32> to vector<1x128xf32>
      %add3A_520 = arith.addf %slice3A_519, %slice3A_515 : vector<1x128xf32>
      %tanh3A_521 = math.tanh %add3A_520 : vector<1x128xf32>
      %mul3A_522 = arith.constant 5.000000e-01 : f32
      %mul3A_523 = vector.broadcast %mul3A_522 : f32 to vector<1x128xf32>
      %mul3A_524 = arith.mulf %mul3A_523, %tanh3A_521 : vector<1x128xf32>
      %add3A_525 = arith.constant 5.000000e-01 : f32
      %add3A_526 = vector.broadcast %add3A_525 : f32 to vector<1x128xf32>
      %add3A_527 = arith.addf %add3A_526, %mul3A_524 : vector<1x128xf32>
      %slice3A_528 = vector.extract_strided_slice %get3A_514 {offsets = [0, 128], sizes = [1, 128], strides = [1, 1]} : vector<1x384xf32> to vector<1x128xf32>
      %add3A_529 = arith.addf %slice3A_528, %slice3A_516 : vector<1x128xf32>
      %tanh3A_530 = math.tanh %add3A_529 : vector<1x128xf32>
      %mul3A_531 = arith.constant 5.000000e-01 : f32
      %mul3A_532 = vector.broadcast %mul3A_531 : f32 to vector<1x128xf32>
      %mul3A_533 = arith.mulf %mul3A_532, %tanh3A_530 : vector<1x128xf32>
      %add3A_534 = arith.constant 5.000000e-01 : f32
      %add3A_535 = vector.broadcast %add3A_534 : f32 to vector<1x128xf32>
      %add3A_536 = arith.addf %add3A_535, %mul3A_533 : vector<1x128xf32>
      %slice3A_537 = vector.extract_strided_slice %get3A_514 {offsets = [0, 256], sizes = [1, 128], strides = [1, 1]} : vector<1x384xf32> to vector<1x128xf32>
      %mul3A_538 = arith.mulf %add3A_527, %add3A_518 : vector<1x128xf32>
      %add3A_539 = arith.addf %slice3A_537, %mul3A_538 : vector<1x128xf32>
      %tanh3A_540 = math.tanh %add3A_539 : vector<1x128xf32>
      %sub3A_541 = arith.subf %add3A_435, %tanh3A_540 : vector<1x128xf32>
      %mul3A_542 = arith.mulf %add3A_536, %sub3A_541 : vector<1x128xf32>
      %add3A_543 = arith.addf %tanh3A_540, %mul3A_542 : vector<1x128xf32>
      %reshape3A_544 = vector.shape_cast %add3A_485 : vector<1x128xf32> to vector<128x1xf32>
      %mul3A_545 = vector.broadcast %reshape3A_544 : vector<128x1xf32> to vector<128x384xf32>
      %mul3A_546 = arith.mulf %mul3A_545, %get3A_18 : vector<128x384xf32>
      %slice3A_547 = vector.extract_strided_slice %mul3A_546 {offsets = [0, 0], sizes = [64, 384], strides = [1, 1]} : vector<128x384xf32> to vector<64x384xf32>
      %slice3A_548 = vector.extract_strided_slice %mul3A_546 {offsets = [64, 0], sizes = [64, 384], strides = [1, 1]} : vector<128x384xf32> to vector<64x384xf32>
      %add3A_549 = arith.addf %slice3A_547, %slice3A_548 : vector<64x384xf32>
      %slice3A_550 = vector.extract_strided_slice %add3A_549 {offsets = [0, 0], sizes = [32, 384], strides = [1, 1]} : vector<64x384xf32> to vector<32x384xf32>
      %slice3A_551 = vector.extract_strided_slice %add3A_549 {offsets = [32, 0], sizes = [32, 384], strides = [1, 1]} : vector<64x384xf32> to vector<32x384xf32>
      %add3A_552 = arith.addf %slice3A_550, %slice3A_551 : vector<32x384xf32>
      %slice3A_553 = vector.extract_strided_slice %add3A_552 {offsets = [0, 0], sizes = [16, 384], strides = [1, 1]} : vector<32x384xf32> to vector<16x384xf32>
      %slice3A_554 = vector.extract_strided_slice %add3A_552 {offsets = [16, 0], sizes = [16, 384], strides = [1, 1]} : vector<32x384xf32> to vector<16x384xf32>
      %add3A_555 = arith.addf %slice3A_553, %slice3A_554 : vector<16x384xf32>
      %slice3A_556 = vector.extract_strided_slice %add3A_555 {offsets = [0, 0], sizes = [8, 384], strides = [1, 1]} : vector<16x384xf32> to vector<8x384xf32>
      %slice3A_557 = vector.extract_strided_slice %add3A_555 {offsets = [8, 0], sizes = [8, 384], strides = [1, 1]} : vector<16x384xf32> to vector<8x384xf32>
      %add3A_558 = arith.addf %slice3A_556, %slice3A_557 : vector<8x384xf32>
      %reduce_sum3A_559 = arith.constant dense<0.000000e+00> : vector<384xf32>
      %reduce_sum3A_560 = vector.multi_reduction <add>, %add3A_558, %reduce_sum3A_559 [0] : vector<8x384xf32> to vector<384xf32>
      %broadcast_in_dim3A_561 = vector.shape_cast %reduce_sum3A_560 : vector<384xf32> to vector<1x384xf32>
      %get3A_562 = arith.index_cast %scan3A_511 : i32 to index
      %get3A_563 = arith.constant 0 : index
      %get3A_564 = vector.load %arg14[%get3A_562, %get3A_563] : memref<1000x384xf32, #tpu.memory_space<vmem>>, vector<1x384xf32>
      %slice3A_565 = vector.extract_strided_slice %broadcast_in_dim3A_561 {offsets = [0, 0], sizes = [1, 128], strides = [1, 1]} : vector<1x384xf32> to vector<1x128xf32>
      %slice3A_566 = vector.extract_strided_slice %broadcast_in_dim3A_561 {offsets = [0, 128], sizes = [1, 128], strides = [1, 1]} : vector<1x384xf32> to vector<1x128xf32>
      %slice3A_567 = vector.extract_strided_slice %broadcast_in_dim3A_561 {offsets = [0, 256], sizes = [1, 128], strides = [1, 1]} : vector<1x384xf32> to vector<1x128xf32>
      %add3A_568 = arith.addf %slice3A_567, %get3A_24 : vector<1x128xf32>
      %slice3A_569 = vector.extract_strided_slice %get3A_564 {offsets = [0, 0], sizes = [1, 128], strides = [1, 1]} : vector<1x384xf32> to vector<1x128xf32>
      %add3A_570 = arith.addf %slice3A_569, %slice3A_565 : vector<1x128xf32>
      %tanh3A_571 = math.tanh %add3A_570 : vector<1x128xf32>
      %mul3A_572 = arith.constant 5.000000e-01 : f32
      %mul3A_573 = vector.broadcast %mul3A_572 : f32 to vector<1x128xf32>
      %mul3A_574 = arith.mulf %mul3A_573, %tanh3A_571 : vector<1x128xf32>
      %add3A_575 = arith.constant 5.000000e-01 : f32
      %add3A_576 = vector.broadcast %add3A_575 : f32 to vector<1x128xf32>
      %add3A_577 = arith.addf %add3A_576, %mul3A_574 : vector<1x128xf32>
      %slice3A_578 = vector.extract_strided_slice %get3A_564 {offsets = [0, 128], sizes = [1, 128], strides = [1, 1]} : vector<1x384xf32> to vector<1x128xf32>
      %add3A_579 = arith.addf %slice3A_578, %slice3A_566 : vector<1x128xf32>
      %tanh3A_580 = math.tanh %add3A_579 : vector<1x128xf32>
      %mul3A_581 = arith.constant 5.000000e-01 : f32
      %mul3A_582 = vector.broadcast %mul3A_581 : f32 to vector<1x128xf32>
      %mul3A_583 = arith.mulf %mul3A_582, %tanh3A_580 : vector<1x128xf32>
      %add3A_584 = arith.constant 5.000000e-01 : f32
      %add3A_585 = vector.broadcast %add3A_584 : f32 to vector<1x128xf32>
      %add3A_586 = arith.addf %add3A_585, %mul3A_583 : vector<1x128xf32>
      %slice3A_587 = vector.extract_strided_slice %get3A_564 {offsets = [0, 256], sizes = [1, 128], strides = [1, 1]} : vector<1x384xf32> to vector<1x128xf32>
      %mul3A_588 = arith.mulf %add3A_577, %add3A_568 : vector<1x128xf32>
      %add3A_589 = arith.addf %slice3A_587, %mul3A_588 : vector<1x128xf32>
      %tanh3A_590 = math.tanh %add3A_589 : vector<1x128xf32>
      %sub3A_591 = arith.subf %add3A_485, %tanh3A_590 : vector<1x128xf32>
      %mul3A_592 = arith.mulf %add3A_586, %sub3A_591 : vector<1x128xf32>
      %add3A_593 = arith.addf %tanh3A_590, %mul3A_592 : vector<1x128xf32>
      %reshape3A_594 = vector.shape_cast %add3A_543 : vector<1x128xf32> to vector<128x1xf32>
      %mul3A_595 = vector.broadcast %reshape3A_594 : vector<128x1xf32> to vector<128x384xf32>
      %mul3A_596 = arith.mulf %mul3A_595, %get3A_21 : vector<128x384xf32>
      %slice3A_597 = vector.extract_strided_slice %mul3A_596 {offsets = [0, 0], sizes = [64, 384], strides = [1, 1]} : vector<128x384xf32> to vector<64x384xf32>
      %slice3A_598 = vector.extract_strided_slice %mul3A_596 {offsets = [64, 0], sizes = [64, 384], strides = [1, 1]} : vector<128x384xf32> to vector<64x384xf32>
      %add3A_599 = arith.addf %slice3A_597, %slice3A_598 : vector<64x384xf32>
      %slice3A_600 = vector.extract_strided_slice %add3A_599 {offsets = [0, 0], sizes = [32, 384], strides = [1, 1]} : vector<64x384xf32> to vector<32x384xf32>
      %slice3A_601 = vector.extract_strided_slice %add3A_599 {offsets = [32, 0], sizes = [32, 384], strides = [1, 1]} : vector<64x384xf32> to vector<32x384xf32>
      %add3A_602 = arith.addf %slice3A_600, %slice3A_601 : vector<32x384xf32>
      %slice3A_603 = vector.extract_strided_slice %add3A_602 {offsets = [0, 0], sizes = [16, 384], strides = [1, 1]} : vector<32x384xf32> to vector<16x384xf32>
      %slice3A_604 = vector.extract_strided_slice %add3A_602 {offsets = [16, 0], sizes = [16, 384], strides = [1, 1]} : vector<32x384xf32> to vector<16x384xf32>
      %add3A_605 = arith.addf %slice3A_603, %slice3A_604 : vector<16x384xf32>
      %slice3A_606 = vector.extract_strided_slice %add3A_605 {offsets = [0, 0], sizes = [8, 384], strides = [1, 1]} : vector<16x384xf32> to vector<8x384xf32>
      %slice3A_607 = vector.extract_strided_slice %add3A_605 {offsets = [8, 0], sizes = [8, 384], strides = [1, 1]} : vector<16x384xf32> to vector<8x384xf32>
      %add3A_608 = arith.addf %slice3A_606, %slice3A_607 : vector<8x384xf32>
      %reduce_sum3A_609 = arith.constant dense<0.000000e+00> : vector<384xf32>
      %reduce_sum3A_610 = vector.multi_reduction <add>, %add3A_608, %reduce_sum3A_609 [0] : vector<8x384xf32> to vector<384xf32>
      %broadcast_in_dim3A_611 = vector.shape_cast %reduce_sum3A_610 : vector<384xf32> to vector<1x384xf32>
      %swap3A_612 = arith.index_cast %scan3A_511 : i32 to index
      %swap3A_613 = arith.constant 0 : index
      %swap3A_614 = vector.load %arg16[%swap3A_612, %swap3A_613] : memref<1000x128xf32, #tpu.memory_space<vmem>>, vector<1x128xf32>
      tpu.vector_store %arg16[%swap3A_612, %swap3A_613], %add3A_593 {strides = array<i32>} : memref<1000x128xf32, #tpu.memory_space<vmem>>, vector<1x128xf32>,
      %swap3A_615 = arith.index_cast %scan3A_511 : i32 to index
      %swap3A_616 = arith.constant 0 : index
      %swap3A_617 = vector.load %arg12[%swap3A_615, %swap3A_616] : memref<1000x128xf32, #tpu.memory_space<vmem>>, vector<1x128xf32>
      tpu.vector_store %arg12[%swap3A_615, %swap3A_616], %add3A_543 {strides = array<i32>} : memref<1000x128xf32, #tpu.memory_space<vmem>>, vector<1x128xf32>,
      %scan3A_618 = arith.constant 5 : i32
      %scan3A_619 = arith.addi %scan3A_82, %scan3A_618 : i32
      %get3A_620 = arith.index_cast %scan3A_619 : i32 to index
      %get3A_621 = arith.constant 0 : index
      %get3A_622 = vector.load %arg15[%get3A_620, %get3A_621] : memref<1000x384xf32, #tpu.memory_space<vmem>>, vector<1x384xf32>
      %slice3A_623 = vector.extract_strided_slice %broadcast_in_dim3A_611 {offsets = [0, 0], sizes = [1, 128], strides = [1, 1]} : vector<1x384xf32> to vector<1x128xf32>
      %slice3A_624 = vector.extract_strided_slice %broadcast_in_dim3A_611 {offsets = [0, 128], sizes = [1, 128], strides = [1, 1]} : vector<1x384xf32> to vector<1x128xf32>
      %slice3A_625 = vector.extract_strided_slice %broadcast_in_dim3A_611 {offsets = [0, 256], sizes = [1, 128], strides = [1, 1]} : vector<1x384xf32> to vector<1x128xf32>
      %add3A_626 = arith.addf %slice3A_625, %get3A_27 : vector<1x128xf32>
      %slice3A_627 = vector.extract_strided_slice %get3A_622 {offsets = [0, 0], sizes = [1, 128], strides = [1, 1]} : vector<1x384xf32> to vector<1x128xf32>
      %add3A_628 = arith.addf %slice3A_627, %slice3A_623 : vector<1x128xf32>
      %tanh3A_629 = math.tanh %add3A_628 : vector<1x128xf32>
      %mul3A_630 = arith.constant 5.000000e-01 : f32
      %mul3A_631 = vector.broadcast %mul3A_630 : f32 to vector<1x128xf32>
      %mul3A_632 = arith.mulf %mul3A_631, %tanh3A_629 : vector<1x128xf32>
      %add3A_633 = arith.constant 5.000000e-01 : f32
      %add3A_634 = vector.broadcast %add3A_633 : f32 to vector<1x128xf32>
      %add3A_635 = arith.addf %add3A_634, %mul3A_632 : vector<1x128xf32>
      %slice3A_636 = vector.extract_strided_slice %get3A_622 {offsets = [0, 128], sizes = [1, 128], strides = [1, 1]} : vector<1x384xf32> to vector<1x128xf32>
      %add3A_637 = arith.addf %slice3A_636, %slice3A_624 : vector<1x128xf32>
      %tanh3A_638 = math.tanh %add3A_637 : vector<1x128xf32>
      %mul3A_639 = arith.constant 5.000000e-01 : f32
      %mul3A_640 = vector.broadcast %mul3A_639 : f32 to vector<1x128xf32>
      %mul3A_641 = arith.mulf %mul3A_640, %tanh3A_638 : vector<1x128xf32>
      %add3A_642 = arith.constant 5.000000e-01 : f32
      %add3A_643 = vector.broadcast %add3A_642 : f32 to vector<1x128xf32>
      %add3A_644 = arith.addf %add3A_643, %mul3A_641 : vector<1x128xf32>
      %slice3A_645 = vector.extract_strided_slice %get3A_622 {offsets = [0, 256], sizes = [1, 128], strides = [1, 1]} : vector<1x384xf32> to vector<1x128xf32>
      %mul3A_646 = arith.mulf %add3A_635, %add3A_626 : vector<1x128xf32>
      %add3A_647 = arith.addf %slice3A_645, %mul3A_646 : vector<1x128xf32>
      %tanh3A_648 = math.tanh %add3A_647 : vector<1x128xf32>
      %sub3A_649 = arith.subf %add3A_543, %tanh3A_648 : vector<1x128xf32>
      %mul3A_650 = arith.mulf %add3A_644, %sub3A_649 : vector<1x128xf32>
      %add3A_651 = arith.addf %tanh3A_648, %mul3A_650 : vector<1x128xf32>
      %reshape3A_652 = vector.shape_cast %add3A_593 : vector<1x128xf32> to vector<128x1xf32>
      %mul3A_653 = vector.broadcast %reshape3A_652 : vector<128x1xf32> to vector<128x384xf32>
      %mul3A_654 = arith.mulf %mul3A_653, %get3A_18 : vector<128x384xf32>
      %slice3A_655 = vector.extract_strided_slice %mul3A_654 {offsets = [0, 0], sizes = [64, 384], strides = [1, 1]} : vector<128x384xf32> to vector<64x384xf32>
      %slice3A_656 = vector.extract_strided_slice %mul3A_654 {offsets = [64, 0], sizes = [64, 384], strides = [1, 1]} : vector<128x384xf32> to vector<64x384xf32>
      %add3A_657 = arith.addf %slice3A_655, %slice3A_656 : vector<64x384xf32>
      %slice3A_658 = vector.extract_strided_slice %add3A_657 {offsets = [0, 0], sizes = [32, 384], strides = [1, 1]} : vector<64x384xf32> to vector<32x384xf32>
      %slice3A_659 = vector.extract_strided_slice %add3A_657 {offsets = [32, 0], sizes = [32, 384], strides = [1, 1]} : vector<64x384xf32> to vector<32x384xf32>
      %add3A_660 = arith.addf %slice3A_658, %slice3A_659 : vector<32x384xf32>
      %slice3A_661 = vector.extract_strided_slice %add3A_660 {offsets = [0, 0], sizes = [16, 384], strides = [1, 1]} : vector<32x384xf32> to vector<16x384xf32>
      %slice3A_662 = vector.extract_strided_slice %add3A_660 {offsets = [16, 0], sizes = [16, 384], strides = [1, 1]} : vector<32x384xf32> to vector<16x384xf32>
      %add3A_663 = arith.addf %slice3A_661, %slice3A_662 : vector<16x384xf32>
      %slice3A_664 = vector.extract_strided_slice %add3A_663 {offsets = [0, 0], sizes = [8, 384], strides = [1, 1]} : vector<16x384xf32> to vector<8x384xf32>
      %slice3A_665 = vector.extract_strided_slice %add3A_663 {offsets = [8, 0], sizes = [8, 384], strides = [1, 1]} : vector<16x384xf32> to vector<8x384xf32>
      %add3A_666 = arith.addf %slice3A_664, %slice3A_665 : vector<8x384xf32>
      %reduce_sum3A_667 = arith.constant dense<0.000000e+00> : vector<384xf32>
      %reduce_sum3A_668 = vector.multi_reduction <add>, %add3A_666, %reduce_sum3A_667 [0] : vector<8x384xf32> to vector<384xf32>
      %broadcast_in_dim3A_669 = vector.shape_cast %reduce_sum3A_668 : vector<384xf32> to vector<1x384xf32>
      %get3A_670 = arith.index_cast %scan3A_619 : i32 to index
      %get3A_671 = arith.constant 0 : index
      %get3A_672 = vector.load %arg14[%get3A_670, %get3A_671] : memref<1000x384xf32, #tpu.memory_space<vmem>>, vector<1x384xf32>
      %slice3A_673 = vector.extract_strided_slice %broadcast_in_dim3A_669 {offsets = [0, 0], sizes = [1, 128], strides = [1, 1]} : vector<1x384xf32> to vector<1x128xf32>
      %slice3A_674 = vector.extract_strided_slice %broadcast_in_dim3A_669 {offsets = [0, 128], sizes = [1, 128], strides = [1, 1]} : vector<1x384xf32> to vector<1x128xf32>
      %slice3A_675 = vector.extract_strided_slice %broadcast_in_dim3A_669 {offsets = [0, 256], sizes = [1, 128], strides = [1, 1]} : vector<1x384xf32> to vector<1x128xf32>
      %add3A_676 = arith.addf %slice3A_675, %get3A_24 : vector<1x128xf32>
      %slice3A_677 = vector.extract_strided_slice %get3A_672 {offsets = [0, 0], sizes = [1, 128], strides = [1, 1]} : vector<1x384xf32> to vector<1x128xf32>
      %add3A_678 = arith.addf %slice3A_677, %slice3A_673 : vector<1x128xf32>
      %tanh3A_679 = math.tanh %add3A_678 : vector<1x128xf32>
      %mul3A_680 = arith.constant 5.000000e-01 : f32
      %mul3A_681 = vector.broadcast %mul3A_680 : f32 to vector<1x128xf32>
      %mul3A_682 = arith.mulf %mul3A_681, %tanh3A_679 : vector<1x128xf32>
      %add3A_683 = arith.constant 5.000000e-01 : f32
      %add3A_684 = vector.broadcast %add3A_683 : f32 to vector<1x128xf32>
      %add3A_685 = arith.addf %add3A_684, %mul3A_682 : vector<1x128xf32>
      %slice3A_686 = vector.extract_strided_slice %get3A_672 {offsets = [0, 128], sizes = [1, 128], strides = [1, 1]} : vector<1x384xf32> to vector<1x128xf32>
      %add3A_687 = arith.addf %slice3A_686, %slice3A_674 : vector<1x128xf32>
      %tanh3A_688 = math.tanh %add3A_687 : vector<1x128xf32>
      %mul3A_689 = arith.constant 5.000000e-01 : f32
      %mul3A_690 = vector.broadcast %mul3A_689 : f32 to vector<1x128xf32>
      %mul3A_691 = arith.mulf %mul3A_690, %tanh3A_688 : vector<1x128xf32>
      %add3A_692 = arith.constant 5.000000e-01 : f32
      %add3A_693 = vector.broadcast %add3A_692 : f32 to vector<1x128xf32>
      %add3A_694 = arith.addf %add3A_693, %mul3A_691 : vector<1x128xf32>
      %slice3A_695 = vector.extract_strided_slice %get3A_672 {offsets = [0, 256], sizes = [1, 128], strides = [1, 1]} : vector<1x384xf32> to vector<1x128xf32>
      %mul3A_696 = arith.mulf %add3A_685, %add3A_676 : vector<1x128xf32>
      %add3A_697 = arith.addf %slice3A_695, %mul3A_696 : vector<1x128xf32>
      %tanh3A_698 = math.tanh %add3A_697 : vector<1x128xf32>
      %sub3A_699 = arith.subf %add3A_593, %tanh3A_698 : vector<1x128xf32>
      %mul3A_700 = arith.mulf %add3A_694, %sub3A_699 : vector<1x128xf32>
      %add3A_701 = arith.addf %tanh3A_698, %mul3A_700 : vector<1x128xf32>
      %reshape3A_702 = vector.shape_cast %add3A_651 : vector<1x128xf32> to vector<128x1xf32>
      %mul3A_703 = vector.broadcast %reshape3A_702 : vector<128x1xf32> to vector<128x384xf32>
      %mul3A_704 = arith.mulf %mul3A_703, %get3A_21 : vector<128x384xf32>
      %slice3A_705 = vector.extract_strided_slice %mul3A_704 {offsets = [0, 0], sizes = [64, 384], strides = [1, 1]} : vector<128x384xf32> to vector<64x384xf32>
      %slice3A_706 = vector.extract_strided_slice %mul3A_704 {offsets = [64, 0], sizes = [64, 384], strides = [1, 1]} : vector<128x384xf32> to vector<64x384xf32>
      %add3A_707 = arith.addf %slice3A_705, %slice3A_706 : vector<64x384xf32>
      %slice3A_708 = vector.extract_strided_slice %add3A_707 {offsets = [0, 0], sizes = [32, 384], strides = [1, 1]} : vector<64x384xf32> to vector<32x384xf32>
      %slice3A_709 = vector.extract_strided_slice %add3A_707 {offsets = [32, 0], sizes = [32, 384], strides = [1, 1]} : vector<64x384xf32> to vector<32x384xf32>
      %add3A_710 = arith.addf %slice3A_708, %slice3A_709 : vector<32x384xf32>
      %slice3A_711 = vector.extract_strided_slice %add3A_710 {offsets = [0, 0], sizes = [16, 384], strides = [1, 1]} : vector<32x384xf32> to vector<16x384xf32>
      %slice3A_712 = vector.extract_strided_slice %add3A_710 {offsets = [16, 0], sizes = [16, 384], strides = [1, 1]} : vector<32x384xf32> to vector<16x384xf32>
      %add3A_713 = arith.addf %slice3A_711, %slice3A_712 : vector<16x384xf32>
      %slice3A_714 = vector.extract_strided_slice %add3A_713 {offsets = [0, 0], sizes = [8, 384], strides = [1, 1]} : vector<16x384xf32> to vector<8x384xf32>
      %slice3A_715 = vector.extract_strided_slice %add3A_713 {offsets = [8, 0], sizes = [8, 384], strides = [1, 1]} : vector<16x384xf32> to vector<8x384xf32>
      %add3A_716 = arith.addf %slice3A_714, %slice3A_715 : vector<8x384xf32>
      %reduce_sum3A_717 = arith.constant dense<0.000000e+00> : vector<384xf32>
      %reduce_sum3A_718 = vector.multi_reduction <add>, %add3A_716, %reduce_sum3A_717 [0] : vector<8x384xf32> to vector<384xf32>
      %broadcast_in_dim3A_719 = vector.shape_cast %reduce_sum3A_718 : vector<384xf32> to vector<1x384xf32>
      %swap3A_720 = arith.index_cast %scan3A_619 : i32 to index
      %swap3A_721 = arith.constant 0 : index
      %swap3A_722 = vector.load %arg16[%swap3A_720, %swap3A_721] : memref<1000x128xf32, #tpu.memory_space<vmem>>, vector<1x128xf32>
      tpu.vector_store %arg16[%swap3A_720, %swap3A_721], %add3A_701 {strides = array<i32>} : memref<1000x128xf32, #tpu.memory_space<vmem>>, vector<1x128xf32>,
      %swap3A_723 = arith.index_cast %scan3A_619 : i32 to index
      %swap3A_724 = arith.constant 0 : index
      %swap3A_725 = vector.load %arg12[%swap3A_723, %swap3A_724] : memref<1000x128xf32, #tpu.memory_space<vmem>>, vector<1x128xf32>
      tpu.vector_store %arg12[%swap3A_723, %swap3A_724], %add3A_651 {strides = array<i32>} : memref<1000x128xf32, #tpu.memory_space<vmem>>, vector<1x128xf32>,
      %scan3A_726 = arith.constant 6 : i32
      %scan3A_727 = arith.addi %scan3A_82, %scan3A_726 : i32
      %get3A_728 = arith.index_cast %scan3A_727 : i32 to index
      %get3A_729 = arith.constant 0 : index
      %get3A_730 = vector.load %arg15[%get3A_728, %get3A_729] : memref<1000x384xf32, #tpu.memory_space<vmem>>, vector<1x384xf32>
      %slice3A_731 = vector.extract_strided_slice %broadcast_in_dim3A_719 {offsets = [0, 0], sizes = [1, 128], strides = [1, 1]} : vector<1x384xf32> to vector<1x128xf32>
      %slice3A_732 = vector.extract_strided_slice %broadcast_in_dim3A_719 {offsets = [0, 128], sizes = [1, 128], strides = [1, 1]} : vector<1x384xf32> to vector<1x128xf32>
      %slice3A_733 = vector.extract_strided_slice %broadcast_in_dim3A_719 {offsets = [0, 256], sizes = [1, 128], strides = [1, 1]} : vector<1x384xf32> to vector<1x128xf32>
      %add3A_734 = arith.addf %slice3A_733, %get3A_27 : vector<1x128xf32>
      %slice3A_735 = vector.extract_strided_slice %get3A_730 {offsets = [0, 0], sizes = [1, 128], strides = [1, 1]} : vector<1x384xf32> to vector<1x128xf32>
      %add3A_736 = arith.addf %slice3A_735, %slice3A_731 : vector<1x128xf32>
      %tanh3A_737 = math.tanh %add3A_736 : vector<1x128xf32>
      %mul3A_738 = arith.constant 5.000000e-01 : f32
      %mul3A_739 = vector.broadcast %mul3A_738 : f32 to vector<1x128xf32>
      %mul3A_740 = arith.mulf %mul3A_739, %tanh3A_737 : vector<1x128xf32>
      %add3A_741 = arith.constant 5.000000e-01 : f32
      %add3A_742 = vector.broadcast %add3A_741 : f32 to vector<1x128xf32>
      %add3A_743 = arith.addf %add3A_742, %mul3A_740 : vector<1x128xf32>
      %slice3A_744 = vector.extract_strided_slice %get3A_730 {offsets = [0, 128], sizes = [1, 128], strides = [1, 1]} : vector<1x384xf32> to vector<1x128xf32>
      %add3A_745 = arith.addf %slice3A_744, %slice3A_732 : vector<1x128xf32>
      %tanh3A_746 = math.tanh %add3A_745 : vector<1x128xf32>
      %mul3A_747 = arith.constant 5.000000e-01 : f32
      %mul3A_748 = vector.broadcast %mul3A_747 : f32 to vector<1x128xf32>
      %mul3A_749 = arith.mulf %mul3A_748, %tanh3A_746 : vector<1x128xf32>
      %add3A_750 = arith.constant 5.000000e-01 : f32
      %add3A_751 = vector.broadcast %add3A_750 : f32 to vector<1x128xf32>
      %add3A_752 = arith.addf %add3A_751, %mul3A_749 : vector<1x128xf32>
      %slice3A_753 = vector.extract_strided_slice %get3A_730 {offsets = [0, 256], sizes = [1, 128], strides = [1, 1]} : vector<1x384xf32> to vector<1x128xf32>
      %mul3A_754 = arith.mulf %add3A_743, %add3A_734 : vector<1x128xf32>
      %add3A_755 = arith.addf %slice3A_753, %mul3A_754 : vector<1x128xf32>
      %tanh3A_756 = math.tanh %add3A_755 : vector<1x128xf32>
      %sub3A_757 = arith.subf %add3A_651, %tanh3A_756 : vector<1x128xf32>
      %mul3A_758 = arith.mulf %add3A_752, %sub3A_757 : vector<1x128xf32>
      %add3A_759 = arith.addf %tanh3A_756, %mul3A_758 : vector<1x128xf32>
      %reshape3A_760 = vector.shape_cast %add3A_701 : vector<1x128xf32> to vector<128x1xf32>
      %mul3A_761 = vector.broadcast %reshape3A_760 : vector<128x1xf32> to vector<128x384xf32>
      %mul3A_762 = arith.mulf %mul3A_761, %get3A_18 : vector<128x384xf32>
      %slice3A_763 = vector.extract_strided_slice %mul3A_762 {offsets = [0, 0], sizes = [64, 384], strides = [1, 1]} : vector<128x384xf32> to vector<64x384xf32>
      %slice3A_764 = vector.extract_strided_slice %mul3A_762 {offsets = [64, 0], sizes = [64, 384], strides = [1, 1]} : vector<128x384xf32> to vector<64x384xf32>
      %add3A_765 = arith.addf %slice3A_763, %slice3A_764 : vector<64x384xf32>
      %slice3A_766 = vector.extract_strided_slice %add3A_765 {offsets = [0, 0], sizes = [32, 384], strides = [1, 1]} : vector<64x384xf32> to vector<32x384xf32>
      %slice3A_767 = vector.extract_strided_slice %add3A_765 {offsets = [32, 0], sizes = [32, 384], strides = [1, 1]} : vector<64x384xf32> to vector<32x384xf32>
      %add3A_768 = arith.addf %slice3A_766, %slice3A_767 : vector<32x384xf32>
      %slice3A_769 = vector.extract_strided_slice %add3A_768 {offsets = [0, 0], sizes = [16, 384], strides = [1, 1]} : vector<32x384xf32> to vector<16x384xf32>
      %slice3A_770 = vector.extract_strided_slice %add3A_768 {offsets = [16, 0], sizes = [16, 384], strides = [1, 1]} : vector<32x384xf32> to vector<16x384xf32>
      %add3A_771 = arith.addf %slice3A_769, %slice3A_770 : vector<16x384xf32>
      %slice3A_772 = vector.extract_strided_slice %add3A_771 {offsets = [0, 0], sizes = [8, 384], strides = [1, 1]} : vector<16x384xf32> to vector<8x384xf32>
      %slice3A_773 = vector.extract_strided_slice %add3A_771 {offsets = [8, 0], sizes = [8, 384], strides = [1, 1]} : vector<16x384xf32> to vector<8x384xf32>
      %add3A_774 = arith.addf %slice3A_772, %slice3A_773 : vector<8x384xf32>
      %reduce_sum3A_775 = arith.constant dense<0.000000e+00> : vector<384xf32>
      %reduce_sum3A_776 = vector.multi_reduction <add>, %add3A_774, %reduce_sum3A_775 [0] : vector<8x384xf32> to vector<384xf32>
      %broadcast_in_dim3A_777 = vector.shape_cast %reduce_sum3A_776 : vector<384xf32> to vector<1x384xf32>
      %get3A_778 = arith.index_cast %scan3A_727 : i32 to index
      %get3A_779 = arith.constant 0 : index
      %get3A_780 = vector.load %arg14[%get3A_778, %get3A_779] : memref<1000x384xf32, #tpu.memory_space<vmem>>, vector<1x384xf32>
      %slice3A_781 = vector.extract_strided_slice %broadcast_in_dim3A_777 {offsets = [0, 0], sizes = [1, 128], strides = [1, 1]} : vector<1x384xf32> to vector<1x128xf32>
      %slice3A_782 = vector.extract_strided_slice %broadcast_in_dim3A_777 {offsets = [0, 128], sizes = [1, 128], strides = [1, 1]} : vector<1x384xf32> to vector<1x128xf32>
      %slice3A_783 = vector.extract_strided_slice %broadcast_in_dim3A_777 {offsets = [0, 256], sizes = [1, 128], strides = [1, 1]} : vector<1x384xf32> to vector<1x128xf32>
      %add3A_784 = arith.addf %slice3A_783, %get3A_24 : vector<1x128xf32>
      %slice3A_785 = vector.extract_strided_slice %get3A_780 {offsets = [0, 0], sizes = [1, 128], strides = [1, 1]} : vector<1x384xf32> to vector<1x128xf32>
      %add3A_786 = arith.addf %slice3A_785, %slice3A_781 : vector<1x128xf32>
      %tanh3A_787 = math.tanh %add3A_786 : vector<1x128xf32>
      %mul3A_788 = arith.constant 5.000000e-01 : f32
      %mul3A_789 = vector.broadcast %mul3A_788 : f32 to vector<1x128xf32>
      %mul3A_790 = arith.mulf %mul3A_789, %tanh3A_787 : vector<1x128xf32>
      %add3A_791 = arith.constant 5.000000e-01 : f32
      %add3A_792 = vector.broadcast %add3A_791 : f32 to vector<1x128xf32>
      %add3A_793 = arith.addf %add3A_792, %mul3A_790 : vector<1x128xf32>
      %slice3A_794 = vector.extract_strided_slice %get3A_780 {offsets = [0, 128], sizes = [1, 128], strides = [1, 1]} : vector<1x384xf32> to vector<1x128xf32>
      %add3A_795 = arith.addf %slice3A_794, %slice3A_782 : vector<1x128xf32>
      %tanh3A_796 = math.tanh %add3A_795 : vector<1x128xf32>
      %mul3A_797 = arith.constant 5.000000e-01 : f32
      %mul3A_798 = vector.broadcast %mul3A_797 : f32 to vector<1x128xf32>
      %mul3A_799 = arith.mulf %mul3A_798, %tanh3A_796 : vector<1x128xf32>
      %add3A_800 = arith.constant 5.000000e-01 : f32
      %add3A_801 = vector.broadcast %add3A_800 : f32 to vector<1x128xf32>
      %add3A_802 = arith.addf %add3A_801, %mul3A_799 : vector<1x128xf32>
      %slice3A_803 = vector.extract_strided_slice %get3A_780 {offsets = [0, 256], sizes = [1, 128], strides = [1, 1]} : vector<1x384xf32> to vector<1x128xf32>
      %mul3A_804 = arith.mulf %add3A_793, %add3A_784 : vector<1x128xf32>
      %add3A_805 = arith.addf %slice3A_803, %mul3A_804 : vector<1x128xf32>
      %tanh3A_806 = math.tanh %add3A_805 : vector<1x128xf32>
      %sub3A_807 = arith.subf %add3A_701, %tanh3A_806 : vector<1x128xf32>
      %mul3A_808 = arith.mulf %add3A_802, %sub3A_807 : vector<1x128xf32>
      %add3A_809 = arith.addf %tanh3A_806, %mul3A_808 : vector<1x128xf32>
      %reshape3A_810 = vector.shape_cast %add3A_759 : vector<1x128xf32> to vector<128x1xf32>
      %mul3A_811 = vector.broadcast %reshape3A_810 : vector<128x1xf32> to vector<128x384xf32>
      %mul3A_812 = arith.mulf %mul3A_811, %get3A_21 : vector<128x384xf32>
      %slice3A_813 = vector.extract_strided_slice %mul3A_812 {offsets = [0, 0], sizes = [64, 384], strides = [1, 1]} : vector<128x384xf32> to vector<64x384xf32>
      %slice3A_814 = vector.extract_strided_slice %mul3A_812 {offsets = [64, 0], sizes = [64, 384], strides = [1, 1]} : vector<128x384xf32> to vector<64x384xf32>
      %add3A_815 = arith.addf %slice3A_813, %slice3A_814 : vector<64x384xf32>
      %slice3A_816 = vector.extract_strided_slice %add3A_815 {offsets = [0, 0], sizes = [32, 384], strides = [1, 1]} : vector<64x384xf32> to vector<32x384xf32>
      %slice3A_817 = vector.extract_strided_slice %add3A_815 {offsets = [32, 0], sizes = [32, 384], strides = [1, 1]} : vector<64x384xf32> to vector<32x384xf32>
      %add3A_818 = arith.addf %slice3A_816, %slice3A_817 : vector<32x384xf32>
      %slice3A_819 = vector.extract_strided_slice %add3A_818 {offsets = [0, 0], sizes = [16, 384], strides = [1, 1]} : vector<32x384xf32> to vector<16x384xf32>
      %slice3A_820 = vector.extract_strided_slice %add3A_818 {offsets = [16, 0], sizes = [16, 384], strides = [1, 1]} : vector<32x384xf32> to vector<16x384xf32>
      %add3A_821 = arith.addf %slice3A_819, %slice3A_820 : vector<16x384xf32>
      %slice3A_822 = vector.extract_strided_slice %add3A_821 {offsets = [0, 0], sizes = [8, 384], strides = [1, 1]} : vector<16x384xf32> to vector<8x384xf32>
      %slice3A_823 = vector.extract_strided_slice %add3A_821 {offsets = [8, 0], sizes = [8, 384], strides = [1, 1]} : vector<16x384xf32> to vector<8x384xf32>
      %add3A_824 = arith.addf %slice3A_822, %slice3A_823 : vector<8x384xf32>
      %reduce_sum3A_825 = arith.constant dense<0.000000e+00> : vector<384xf32>
      %reduce_sum3A_826 = vector.multi_reduction <add>, %add3A_824, %reduce_sum3A_825 [0] : vector<8x384xf32> to vector<384xf32>
      %broadcast_in_dim3A_827 = vector.shape_cast %reduce_sum3A_826 : vector<384xf32> to vector<1x384xf32>
      %swap3A_828 = arith.index_cast %scan3A_727 : i32 to index
      %swap3A_829 = arith.constant 0 : index
      %swap3A_830 = vector.load %arg16[%swap3A_828, %swap3A_829] : memref<1000x128xf32, #tpu.memory_space<vmem>>, vector<1x128xf32>
      tpu.vector_store %arg16[%swap3A_828, %swap3A_829], %add3A_809 {strides = array<i32>} : memref<1000x128xf32, #tpu.memory_space<vmem>>, vector<1x128xf32>,
      %swap3A_831 = arith.index_cast %scan3A_727 : i32 to index
      %swap3A_832 = arith.constant 0 : index
      %swap3A_833 = vector.load %arg12[%swap3A_831, %swap3A_832] : memref<1000x128xf32, #tpu.memory_space<vmem>>, vector<1x128xf32>
      tpu.vector_store %arg12[%swap3A_831, %swap3A_832], %add3A_759 {strides = array<i32>} : memref<1000x128xf32, #tpu.memory_space<vmem>>, vector<1x128xf32>,
      %scan3A_834 = arith.constant 7 : i32
      %scan3A_835 = arith.addi %scan3A_82, %scan3A_834 : i32
      %get3A_836 = arith.index_cast %scan3A_835 : i32 to index
      %get3A_837 = arith.constant 0 : index
      %get3A_838 = vector.load %arg15[%get3A_836, %get3A_837] : memref<1000x384xf32, #tpu.memory_space<vmem>>, vector<1x384xf32>
      %slice3A_839 = vector.extract_strided_slice %broadcast_in_dim3A_827 {offsets = [0, 0], sizes = [1, 128], strides = [1, 1]} : vector<1x384xf32> to vector<1x128xf32>
      %slice3A_840 = vector.extract_strided_slice %broadcast_in_dim3A_827 {offsets = [0, 128], sizes = [1, 128], strides = [1, 1]} : vector<1x384xf32> to vector<1x128xf32>
      %slice3A_841 = vector.extract_strided_slice %broadcast_in_dim3A_827 {offsets = [0, 256], sizes = [1, 128], strides = [1, 1]} : vector<1x384xf32> to vector<1x128xf32>
      %add3A_842 = arith.addf %slice3A_841, %get3A_27 : vector<1x128xf32>
      %slice3A_843 = vector.extract_strided_slice %get3A_838 {offsets = [0, 0], sizes = [1, 128], strides = [1, 1]} : vector<1x384xf32> to vector<1x128xf32>
      %add3A_844 = arith.addf %slice3A_843, %slice3A_839 : vector<1x128xf32>
      %tanh3A_845 = math.tanh %add3A_844 : vector<1x128xf32>
      %mul3A_846 = arith.constant 5.000000e-01 : f32
      %mul3A_847 = vector.broadcast %mul3A_846 : f32 to vector<1x128xf32>
      %mul3A_848 = arith.mulf %mul3A_847, %tanh3A_845 : vector<1x128xf32>
      %add3A_849 = arith.constant 5.000000e-01 : f32
      %add3A_850 = vector.broadcast %add3A_849 : f32 to vector<1x128xf32>
      %add3A_851 = arith.addf %add3A_850, %mul3A_848 : vector<1x128xf32>
      %slice3A_852 = vector.extract_strided_slice %get3A_838 {offsets = [0, 128], sizes = [1, 128], strides = [1, 1]} : vector<1x384xf32> to vector<1x128xf32>
      %add3A_853 = arith.addf %slice3A_852, %slice3A_840 : vector<1x128xf32>
      %tanh3A_854 = math.tanh %add3A_853 : vector<1x128xf32>
      %mul3A_855 = arith.constant 5.000000e-01 : f32
      %mul3A_856 = vector.broadcast %mul3A_855 : f32 to vector<1x128xf32>
      %mul3A_857 = arith.mulf %mul3A_856, %tanh3A_854 : vector<1x128xf32>
      %add3A_858 = arith.constant 5.000000e-01 : f32
      %add3A_859 = vector.broadcast %add3A_858 : f32 to vector<1x128xf32>
      %add3A_860 = arith.addf %add3A_859, %mul3A_857 : vector<1x128xf32>
      %slice3A_861 = vector.extract_strided_slice %get3A_838 {offsets = [0, 256], sizes = [1, 128], strides = [1, 1]} : vector<1x384xf32> to vector<1x128xf32>
      %mul3A_862 = arith.mulf %add3A_851, %add3A_842 : vector<1x128xf32>
      %add3A_863 = arith.addf %slice3A_861, %mul3A_862 : vector<1x128xf32>
      %tanh3A_864 = math.tanh %add3A_863 : vector<1x128xf32>
      %sub3A_865 = arith.subf %add3A_759, %tanh3A_864 : vector<1x128xf32>
      %mul3A_866 = arith.mulf %add3A_860, %sub3A_865 : vector<1x128xf32>
      %add3A_867 = arith.addf %tanh3A_864, %mul3A_866 : vector<1x128xf32>
      %reshape3A_868 = vector.shape_cast %add3A_809 : vector<1x128xf32> to vector<128x1xf32>
      %mul3A_869 = vector.broadcast %reshape3A_868 : vector<128x1xf32> to vector<128x384xf32>
      %mul3A_870 = arith.mulf %mul3A_869, %get3A_18 : vector<128x384xf32>
      %slice3A_871 = vector.extract_strided_slice %mul3A_870 {offsets = [0, 0], sizes = [64, 384], strides = [1, 1]} : vector<128x384xf32> to vector<64x384xf32>
      %slice3A_872 = vector.extract_strided_slice %mul3A_870 {offsets = [64, 0], sizes = [64, 384], strides = [1, 1]} : vector<128x384xf32> to vector<64x384xf32>
      %add3A_873 = arith.addf %slice3A_871, %slice3A_872 : vector<64x384xf32>
      %slice3A_874 = vector.extract_strided_slice %add3A_873 {offsets = [0, 0], sizes = [32, 384], strides = [1, 1]} : vector<64x384xf32> to vector<32x384xf32>
      %slice3A_875 = vector.extract_strided_slice %add3A_873 {offsets = [32, 0], sizes = [32, 384], strides = [1, 1]} : vector<64x384xf32> to vector<32x384xf32>
      %add3A_876 = arith.addf %slice3A_874, %slice3A_875 : vector<32x384xf32>
      %slice3A_877 = vector.extract_strided_slice %add3A_876 {offsets = [0, 0], sizes = [16, 384], strides = [1, 1]} : vector<32x384xf32> to vector<16x384xf32>
      %slice3A_878 = vector.extract_strided_slice %add3A_876 {offsets = [16, 0], sizes = [16, 384], strides = [1, 1]} : vector<32x384xf32> to vector<16x384xf32>
      %add3A_879 = arith.addf %slice3A_877, %slice3A_878 : vector<16x384xf32>
      %slice3A_880 = vector.extract_strided_slice %add3A_879 {offsets = [0, 0], sizes = [8, 384], strides = [1, 1]} : vector<16x384xf32> to vector<8x384xf32>
      %slice3A_881 = vector.extract_strided_slice %add3A_879 {offsets = [8, 0], sizes = [8, 384], strides = [1, 1]} : vector<16x384xf32> to vector<8x384xf32>
      %add3A_882 = arith.addf %slice3A_880, %slice3A_881 : vector<8x384xf32>
      %reduce_sum3A_883 = arith.constant dense<0.000000e+00> : vector<384xf32>
      %reduce_sum3A_884 = vector.multi_reduction <add>, %add3A_882, %reduce_sum3A_883 [0] : vector<8x384xf32> to vector<384xf32>
      %broadcast_in_dim3A_885 = vector.shape_cast %reduce_sum3A_884 : vector<384xf32> to vector<1x384xf32>
      %get3A_886 = arith.index_cast %scan3A_835 : i32 to index
      %get3A_887 = arith.constant 0 : index
      %get3A_888 = vector.load %arg14[%get3A_886, %get3A_887] : memref<1000x384xf32, #tpu.memory_space<vmem>>, vector<1x384xf32>
      %slice3A_889 = vector.extract_strided_slice %broadcast_in_dim3A_885 {offsets = [0, 0], sizes = [1, 128], strides = [1, 1]} : vector<1x384xf32> to vector<1x128xf32>
      %slice3A_890 = vector.extract_strided_slice %broadcast_in_dim3A_885 {offsets = [0, 128], sizes = [1, 128], strides = [1, 1]} : vector<1x384xf32> to vector<1x128xf32>
      %slice3A_891 = vector.extract_strided_slice %broadcast_in_dim3A_885 {offsets = [0, 256], sizes = [1, 128], strides = [1, 1]} : vector<1x384xf32> to vector<1x128xf32>
      %add3A_892 = arith.addf %slice3A_891, %get3A_24 : vector<1x128xf32>
      %slice3A_893 = vector.extract_strided_slice %get3A_888 {offsets = [0, 0], sizes = [1, 128], strides = [1, 1]} : vector<1x384xf32> to vector<1x128xf32>
      %add3A_894 = arith.addf %slice3A_893, %slice3A_889 : vector<1x128xf32>
      %tanh3A_895 = math.tanh %add3A_894 : vector<1x128xf32>
      %mul3A_896 = arith.constant 5.000000e-01 : f32
      %mul3A_897 = vector.broadcast %mul3A_896 : f32 to vector<1x128xf32>
      %mul3A_898 = arith.mulf %mul3A_897, %tanh3A_895 : vector<1x128xf32>
      %add3A_899 = arith.constant 5.000000e-01 : f32
      %add3A_900 = vector.broadcast %add3A_899 : f32 to vector<1x128xf32>
      %add3A_901 = arith.addf %add3A_900, %mul3A_898 : vector<1x128xf32>
      %slice3A_902 = vector.extract_strided_slice %get3A_888 {offsets = [0, 128], sizes = [1, 128], strides = [1, 1]} : vector<1x384xf32> to vector<1x128xf32>
      %add3A_903 = arith.addf %slice3A_902, %slice3A_890 : vector<1x128xf32>
      %tanh3A_904 = math.tanh %add3A_903 : vector<1x128xf32>
      %mul3A_905 = arith.constant 5.000000e-01 : f32
      %mul3A_906 = vector.broadcast %mul3A_905 : f32 to vector<1x128xf32>
      %mul3A_907 = arith.mulf %mul3A_906, %tanh3A_904 : vector<1x128xf32>
      %add3A_908 = arith.constant 5.000000e-01 : f32
      %add3A_909 = vector.broadcast %add3A_908 : f32 to vector<1x128xf32>
      %add3A_910 = arith.addf %add3A_909, %mul3A_907 : vector<1x128xf32>
      %slice3A_911 = vector.extract_strided_slice %get3A_888 {offsets = [0, 256], sizes = [1, 128], strides = [1, 1]} : vector<1x384xf32> to vector<1x128xf32>
      %mul3A_912 = arith.mulf %add3A_901, %add3A_892 : vector<1x128xf32>
      %add3A_913 = arith.addf %slice3A_911, %mul3A_912 : vector<1x128xf32>
      %tanh3A_914 = math.tanh %add3A_913 : vector<1x128xf32>
      %sub3A_915 = arith.subf %add3A_809, %tanh3A_914 : vector<1x128xf32>
      %mul3A_916 = arith.mulf %add3A_910, %sub3A_915 : vector<1x128xf32>
      %add3A_917 = arith.addf %tanh3A_914, %mul3A_916 : vector<1x128xf32>
      %reshape3A_918 = vector.shape_cast %add3A_867 : vector<1x128xf32> to vector<128x1xf32>
      %mul3A_919 = vector.broadcast %reshape3A_918 : vector<128x1xf32> to vector<128x384xf32>
      %mul3A_920 = arith.mulf %mul3A_919, %get3A_21 : vector<128x384xf32>
      %slice3A_921 = vector.extract_strided_slice %mul3A_920 {offsets = [0, 0], sizes = [64, 384], strides = [1, 1]} : vector<128x384xf32> to vector<64x384xf32>
      %slice3A_922 = vector.extract_strided_slice %mul3A_920 {offsets = [64, 0], sizes = [64, 384], strides = [1, 1]} : vector<128x384xf32> to vector<64x384xf32>
      %add3A_923 = arith.addf %slice3A_921, %slice3A_922 : vector<64x384xf32>
      %slice3A_924 = vector.extract_strided_slice %add3A_923 {offsets = [0, 0], sizes = [32, 384], strides = [1, 1]} : vector<64x384xf32> to vector<32x384xf32>
      %slice3A_925 = vector.extract_strided_slice %add3A_923 {offsets = [32, 0], sizes = [32, 384], strides = [1, 1]} : vector<64x384xf32> to vector<32x384xf32>
      %add3A_926 = arith.addf %slice3A_924, %slice3A_925 : vector<32x384xf32>
      %slice3A_927 = vector.extract_strided_slice %add3A_926 {offsets = [0, 0], sizes = [16, 384], strides = [1, 1]} : vector<32x384xf32> to vector<16x384xf32>
      %slice3A_928 = vector.extract_strided_slice %add3A_926 {offsets = [16, 0], sizes = [16, 384], strides = [1, 1]} : vector<32x384xf32> to vector<16x384xf32>
      %add3A_929 = arith.addf %slice3A_927, %slice3A_928 : vector<16x384xf32>
      %slice3A_930 = vector.extract_strided_slice %add3A_929 {offsets = [0, 0], sizes = [8, 384], strides = [1, 1]} : vector<16x384xf32> to vector<8x384xf32>
      %slice3A_931 = vector.extract_strided_slice %add3A_929 {offsets = [8, 0], sizes = [8, 384], strides = [1, 1]} : vector<16x384xf32> to vector<8x384xf32>
      %add3A_932 = arith.addf %slice3A_930, %slice3A_931 : vector<8x384xf32>
      %reduce_sum3A_933 = arith.constant dense<0.000000e+00> : vector<384xf32>
      %reduce_sum3A_934 = vector.multi_reduction <add>, %add3A_932, %reduce_sum3A_933 [0] : vector<8x384xf32> to vector<384xf32>
      %broadcast_in_dim3A_935 = vector.shape_cast %reduce_sum3A_934 : vector<384xf32> to vector<1x384xf32>
      %swap3A_936 = arith.index_cast %scan3A_835 : i32 to index
      %swap3A_937 = arith.constant 0 : index
      %swap3A_938 = vector.load %arg16[%swap3A_936, %swap3A_937] : memref<1000x128xf32, #tpu.memory_space<vmem>>, vector<1x128xf32>
      tpu.vector_store %arg16[%swap3A_936, %swap3A_937], %add3A_917 {strides = array<i32>} : memref<1000x128xf32, #tpu.memory_space<vmem>>, vector<1x128xf32>,
      %swap3A_939 = arith.index_cast %scan3A_835 : i32 to index
      %swap3A_940 = arith.constant 0 : index
      %swap3A_941 = vector.load %arg12[%swap3A_939, %swap3A_940] : memref<1000x128xf32, #tpu.memory_space<vmem>>, vector<1x128xf32>
      tpu.vector_store %arg12[%swap3A_939, %swap3A_940], %add3A_867 {strides = array<i32>} : memref<1000x128xf32, #tpu.memory_space<vmem>>, vector<1x128xf32>,
      scf.yield %add3A_917, %add3A_867, %broadcast_in_dim3A_935 : vector<1x128xf32>, vector<1x128xf32>, vector<1x384xf32>
    }
    %scan3A_41 = arith.constant 1000 : i32
    %get3A_42 = arith.constant 0 : index
    %get3A_43 = arith.constant 0 : index
    %get3A_44 = vector.load %arg16[%get3A_42, %get3A_43] : memref<1000x128xf32, #tpu.memory_space<vmem>>, vector<1000x128xf32>
    %get3A_45 = arith.constant 0 : index
    %get3A_46 = arith.constant 0 : index
    %get3A_47 = vector.load %arg5[%get3A_45, %get3A_46] : memref<384x128xf32, #tpu.memory_space<vmem>>, vector<384x128xf32>
    %convert_element_type3A_48 = arith.truncf %get3A_44 : vector<1000x128xf32> to vector<1000x128xbf16>
    %convert_element_type3A_49 = arith.truncf %get3A_47 : vector<384x128xf32> to vector<384x128xbf16>
    %dot_general3A_50 = arith.constant dense<0.000000e+00> : vector<1000x384xf32>
    %dot_general3A_51 = tpu.matmul %convert_element_type3A_48, %convert_element_type3A_49, %dot_general3A_50 {dimension_numbers = #tpu.dot_dimension_numbers<[1], [1], [0], [0], [0, 0, 1, 0], [], []>, transpose_lhs_hint = false} : vector<1000x128xbf16>, vector<384x128xbf16>, vector<1000x384xf32> -> vector<1000x384xf32>
    %get3A_52 = arith.constant 0 : index
    %get3A_53 = arith.constant 0 : index
    %get3A_54 = vector.load %arg10[%get3A_52, %get3A_53] : memref<1x384xf32, #tpu.memory_space<vmem>>, vector<1x384xf32>
    %add3A_55 = vector.broadcast %get3A_54 : vector<1x384xf32> to vector<1000x384xf32>
    %add3A_56 = arith.addf %dot_general3A_51, %add3A_55 : vector<1000x384xf32>
    %swap3A_57 = arith.constant 0 : index
    %swap3A_58 = arith.constant 0 : index
    %swap3A_59 = vector.load %arg15[%swap3A_57, %swap3A_58] : memref<1000x384xf32, #tpu.memory_space<vmem>>, vector<1000x384xf32>
    tpu.vector_store %arg15[%swap3A_57, %swap3A_58], %add3A_56 {strides = array<i32>} : memref<1000x384xf32, #tpu.memory_space<vmem>>, vector<1000x384xf32>,
    %swap3A_60 = arith.constant 0 : index
    %swap3A_61 = arith.constant 0 : index
    %swap3A_62 = vector.load %arg17[%swap3A_60, %swap3A_61] : memref<1x128xf32, #tpu.memory_space<vmem>>, vector<1x128xf32>
    tpu.vector_store %arg17[%swap3A_60, %swap3A_61], %scan3A_40#0 {strides = array<i32>} : memref<1x128xf32, #tpu.memory_space<vmem>>, vector<1x128xf32>,
    %eq3A_63 = arith.constant 0 : i32
    %eq3A_64 = arith.cmpi eq, %arg0, %eq3A_63 : i32
    %broadcast_in_dim3A = arith.constant 0.000000e+00 : f32
    %broadcast_in_dim3A_65 = vector.broadcast %broadcast_in_dim3A : f32 to vector<1x128xf32>
    %select_n3A = arith.select %eq3A_64, %broadcast_in_dim3A_65, %scan3A_40#1 : vector<1x128xf32>
    %swap3A_66 = arith.constant 0 : index
    %swap3A_67 = arith.constant 0 : index
    %swap3A_68 = vector.load %arg18[%swap3A_66, %swap3A_67] : memref<1x128xf32, #tpu.memory_space<vmem>>, vector<1x128xf32>
    tpu.vector_store %arg18[%swap3A_66, %swap3A_67], %select_n3A {strides = array<i32>} : memref<1x128xf32, #tpu.memory_space<vmem>>, vector<1x128xf32>,
    %eq3A_69 = arith.constant 0 : i32
    %eq3A_70 = arith.cmpi eq, %arg0, %eq3A_69 : i32
    %broadcast_in_dim3A_71 = arith.constant 0.000000e+00 : f32
    %broadcast_in_dim3A_72 = vector.broadcast %broadcast_in_dim3A_71 : f32 to vector<1x384xf32>
    %select_n3A_73 = arith.select %eq3A_70, %broadcast_in_dim3A_72, %scan3A_40#2 : vector<1x384xf32>
    %swap3A_74 = arith.constant 0 : index
    %swap3A_75 = arith.constant 0 : index
    %swap3A_76 = vector.load %arg19[%swap3A_74, %swap3A_75] : memref<1x384xf32, #tpu.memory_space<vmem>>, vector<1x384xf32>
    tpu.vector_store %arg19[%swap3A_74, %swap3A_75], %select_n3A_73 {strides = array<i32>} : memref<1x384xf32, #tpu.memory_space<vmem>>, vector<1x384xf32>,
    %eq3A_77 = arith.constant 10 : i32
    %eq3A_78 = arith.cmpi eq, %arg0, %eq3A_77 : i32
    %convert_element_type3A_79 = arith.extui %eq3A_78 : i1 to i32
    %cond3A_80 = arith.constant 0 : i32
    %cond3A_81 = arith.cmpi ne, %convert_element_type3A_79, %cond3A_80 : i32
    scf.if %cond3A_81 {
      %concatenate3A = tpu.concatenate %get3A_30, %scan3A_40#1 in 0 : vector<1x128xf32>, vector<1x128xf32> -> vector<2x128xf32>
      %swap3A_82 = arith.constant 0 : index
      %swap3A_83 = arith.constant 0 : index
      %swap3A_84 = vector.load %arg13[%swap3A_82, %swap3A_83] : memref<2x128xf32, #tpu.memory_space<vmem>>, vector<2x128xf32>
      tpu.vector_store %arg13[%swap3A_82, %swap3A_83], %concatenate3A {strides = array<i32>} : memref<2x128xf32, #tpu.memory_space<vmem>>, vector<2x128xf32>,
    } else {
    }
    return
  }
  func.func @transform_0(%arg0: i32) -> (i32, i32) {
    %min3A = arith.constant 9 : i32
    %min3A_0 = arith.minsi %arg0, %min3A : i32
    %c0_i32 = arith.constant 0 : i32
    %c0_i32_1 = arith.constant 0 : i32
    return %min3A_0, %c0_i32 : i32, i32
  }
  func.func @transform_1(%arg0: i32) -> (i32, i32) {
    %c0_i32 = arith.constant 0 : i32
    %c0_i32_0 = arith.constant 0 : i32
    %c0_i32_1 = arith.constant 0 : i32
    return %c0_i32, %c0_i32_0 : i32, i32
  }
  func.func @transform_2(%arg0: i32) -> (i32, i32) {
    %c0_i32 = arith.constant 0 : i32
    %c0_i32_0 = arith.constant 0 : i32
    %c0_i32_1 = arith.constant 0 : i32
    return %c0_i32, %c0_i32_0 : i32, i32
  }
  func.func @transform_3(%arg0: i32) -> (i32, i32) {
    %c0_i32 = arith.constant 0 : i32
    %c0_i32_0 = arith.constant 0 : i32
    %c0_i32_1 = arith.constant 0 : i32
    return %c0_i32, %c0_i32_0 : i32, i32
  }
  func.func @transform_4(%arg0: i32) -> (i32, i32) {
    %c0_i32 = arith.constant 0 : i32
    %c0_i32_0 = arith.constant 0 : i32
    %c0_i32_1 = arith.constant 0 : i32
    return %c0_i32, %c0_i32_0 : i32, i32
  }
  func.func @transform_5(%arg0: i32) -> (i32, i32) {
    %c0_i32 = arith.constant 0 : i32
    %c0_i32_0 = arith.constant 0 : i32
    %c0_i32_1 = arith.constant 0 : i32
    return %c0_i32, %c0_i32_0 : i32, i32
  }
  func.func @transform_6(%arg0: i32) -> (i32, i32) {
    %c0_i32 = arith.constant 0 : i32
    %c0_i32_0 = arith.constant 0 : i32
    %c0_i32_1 = arith.constant 0 : i32
    return %c0_i32, %c0_i32_0 : i32, i32
  }
  func.func @transform_7(%arg0: i32) -> (i32, i32) {
    %c0_i32 = arith.constant 0 : i32
    %c0_i32_0 = arith.constant 0 : i32
    %c0_i32_1 = arith.constant 0 : i32
    return %c0_i32, %c0_i32_0 : i32, i32
  }
  func.func @transform_8(%arg0: i32) -> (i32, i32) {
    %c0_i32 = arith.constant 0 : i32
    %c0_i32_0 = arith.constant 0 : i32
    %c0_i32_1 = arith.constant 0 : i32
    return %c0_i32, %c0_i32_0 : i32, i32
  }
  func.func @transform_9(%arg0: i32) -> (i32, i32) {
    %c0_i32 = arith.constant 0 : i32
    %c0_i32_0 = arith.constant 0 : i32
    %c0_i32_1 = arith.constant 0 : i32
    return %c0_i32, %c0_i32_0 : i32, i32
  }
  func.func @transform_10(%arg0: i32) -> (i32, i32) {
    %c0_i32 = arith.constant 0 : i32
    %c0_i32_0 = arith.constant 0 : i32
    %c0_i32_1 = arith.constant 0 : i32
    return %c0_i32, %c0_i32_0 : i32, i32
  }
  func.func @transform_11(%arg0: i32) -> (i32, i32) {
    %sub3A = arith.constant 1 : i32
    %sub3A_0 = arith.subi %arg0, %sub3A : i32
    %max3A = arith.constant 0 : i32
    %max3A_1 = arith.maxsi %sub3A_0, %max3A : i32
    %c0_i32 = arith.constant 0 : i32
    %c0_i32_2 = arith.constant 0 : i32
    return %max3A_1, %c0_i32 : i32, i32
  }
  func.func @transform_12(%arg0: i32) -> (i32, i32) {
    %c0_i32 = arith.constant 0 : i32
    %c0_i32_0 = arith.constant 0 : i32
    %c0_i32_1 = arith.constant 0 : i32
    return %c0_i32, %c0_i32_0 : i32, i32
  }
}

</mosaic_0001>

<sc_bundles>
// kernel: kernel.6.cloned.1.call-start
scs
__scs_entry_jumppad:
0x0: {  	(pc) =	sbr.rel $0x88, $3  }
0x1: {  	(tag) =	ssettag $0x0;
	lr =	simm.s32 $0x1  }
0x2: {  	[smem:$0x3F84] =	sst lr;
	_ =	strace $0xD0000000  }
0x3: {  	_ = 	snop  }
0x4: {  	_ = 	snop  }
0x5: {  	_ = 	snop  }
0x6: {  	_ = 	snop  }
0x7: {  	_ = 	snop  }
__scs_overlays_trampoline_lowered:
0x8: {  	[smem:$0x3F93] =	sst s0  }
0x9: {  	[smem:$0x3F94] =	sst s1  }
0xa: {  	[smem:$0x3F95] =	sst s2  }
0xb: {  	[smem:$0x3F96] =	sst s3  }
0xc: {  	[smem:$0x3F97] =	sst s4  }
0xd: {  	[smem:$0x3F98] =	sst s5  }
0xe: {  	[smem:$0x3F99] =	sst s6  }
0xf: {  	[smem:$0x3F9A] =	sst s7  }
0x10: {  	[smem:$0x3F9B] =	sst s8  }
0x11: {  	[smem:$0x3F9C] =	sst s9;
	s0 =	simm.s32 @!p0 $0x0  }
0x12: {  	s1 =	sld [smem:$0x3F82];
	s0 =	simm.s32 @p0 $0x1  }
0x13: {  	[smem:$0x3F9D] =	sst s0;
	s0 =	simm.s32 @!p1 $0x0  }
0x14: {  	s2 =	sld [smem:$0x3F81];
	s0 =	simm.s32 @p1 $0x1  }
0x15: {  	[smem:$0x3F9E] =	sst s0;
	s0 =	simm.s32 @!p2 $0x0  }
0x16: {  	s3 =	sld [smem:$0x3FDB];
	s0 =	simm.s32 @p2 $0x1  }
0x17: {  	s4 =	simm.s32 $0x1BF5;
	[smem:$0x3FA0] =	sst s0  }
0x18: {  	s0 =	sld [smem:$0x3F83];
	_ =	swait.ge [sflag:s4], $0x0  }
0x19: {  	s7 =	sld [smem:$0x3F84]  }
0x1a: {  	s8 =	sadd.s32 $0xFFFFE003, lr  }
0x1b: {  	s9 =	sadd.s32 $0xFFFFFEF7, lr;
	s5 =	simm.s32 $0xFFFFFFFF;
	p2 =	slt.u32 s8, $0xFFFFF086  }
0x1c: {  	p1 =	slt.u32 s9, $0xF7A;
	s5 =	simm.s32 @!p2 $0x0  }
0x1d: {  	s5 =	simm.s32 @p1 $0x1;
	p0 =	seq.s32 s7, s2  }
0x1e: {  	s7 =	smul.u32 @!p0 $0xF7A, s2;
	p2 =	seq.s32 @!p0 s5, $0x0  }
0x1f: {  	s9 =	smul.u32 $0xF7A, s1;
	s8 =	simm.s32 @!p0 $0x1BF5;
	p2 =	por !p2, p0  }
0x20: {  	[sflag:s8] =	ssyncset.s32 @!p0 $0xFFFFF086;
	s6 =	sadd.s32 @!p0 s3, s7;
	s7 =	simm.s32 @!p0 $0x108  }
0x21: {  	s3 =	sadd.s32 s3, s9;
	s6 =	sadd.s32 @!p0 $0x88, s6;
	s7 =	simm.s32 @p2 $0x1082  }
0x22: {  	[simem:s7], [sflag:s8] =	dma.local @!p0 [hbm:s6], $0xF7A  }
0x23: {  	s9 =	sor.u32 $0xD0000000, s2;
	s6 =	simm.s32 $0x108;
	_ =	swait.ge @!p0 [sflag:s8], $0x0  }
0x24: {  	s3 =	sadd.s32 $0x88, s3;
	s6 =	simm.s32 @!p1 $0x1082;
	[sflag:s4] =	ssyncset.s32 $0xFFFFF086  }
0x25: {  	[simem:s6], [sflag:s4] =	dma.local [hbm:s3], $0xF7A  }
0x26: {  	[smem:$0x3F84] =	sst s1;
	(tag) =	ssettag s2;
	_ =	strace s9  }
0x27: {  	s1 =	sld [smem:$0x3F94]  }
0x28: {  	s2 =	sld [smem:$0x3F95]  }
0x29: {  	s4 =	sld [smem:$0x3F97]  }
0x2a: {  	p0 =	seq.s32 s5, $0x0;
	s5 =	sld [smem:$0x3F98]  }
0x2b: {  	s6 =	sld [smem:$0x3F99]  }
0x2c: {  	s7 =	sld [smem:$0x3F9A]  }
0x2d: {  	s3 =	simm.s32 $0x108;
	s8 =	sld [smem:$0x3F9B]  }
0x2e: {  	s3 =	simm.s32 @!p0 $0x1082;
	s9 =	sld [smem:$0x3F9C]  }
0x2f: {  	lr =	sadd.s32 s0, s3;
	s0 =	sld [smem:$0x3F93]  }
0x30: {  	s3 =	sld [smem:$0x3F96]  }
0x31: {  	[smem:$0x3F9F] =	sst s10  }
0x32: {  	s10 =	sld [smem:$0x3F9D];
	_ =	sdelay $0x3  }
0x33: {  	p0 =	seq.s32 s10, $0x1;
	s10 =	sld [smem:$0x3F9F];
	_ =	sdelay $0x3  }
0x34: {  	[smem:$0x3F9F] =	sst s10  }
0x35: {  	s10 =	sld [smem:$0x3F9E];
	_ =	sdelay $0x3  }
0x36: {  	p1 =	seq.s32 s10, $0x1;
	s10 =	sld [smem:$0x3F9F];
	_ =	sdelay $0x3  }
0x37: {  	[smem:$0x3F9F] =	sst s10  }
0x38: {  	s10 =	sld [smem:$0x3FA0]  }
0x39: {  	_ = 	snop;
	(pc) =	sbr.ind lr, $3  }
0x3a: {  	_ = 	snop  }
0x3b: {  	_ = 	snop  }
0x3c: {  	p2 =	seq.s32 s10, $0x1;
	s10 =	sld [smem:$0x3F9F]  }
0x3d: {  	_ =	shalt  }
0x3e: {  	_ =	shalt  }
0x3f: {  	_ =	shalt  }
0x40: {  	_ =	shalt  }
0x41: {  	_ =	shalt  }
0x42: {  	_ =	shalt  }
0x43: {  	_ =	shalt  }
0x44: {  	_ =	shalt  }
0x45: {  	_ =	shalt  }
0x46: {  	_ =	shalt  }
0x47: {  	_ =	shalt  }
0x48: {  	_ =	shalt  }
0x49: {  	_ =	shalt  }
0x4a: {  	_ =	shalt  }
0x4b: {  	_ =	shalt  }
0x4c: {  	_ =	shalt  }
0x4d: {  	_ =	shalt  }
0x4e: {  	_ =	shalt  }
0x4f: {  	_ =	shalt  }
0x50: {  	_ =	shalt  }
0x51: {  	_ =	shalt  }
0x52: {  	_ =	shalt  }
0x53: {  	_ =	shalt  }
0x54: {  	_ =	shalt  }
0x55: {  	_ =	shalt  }
0x56: {  	_ =	shalt  }
0x57: {  	_ =	shalt  }
0x58: {  	_ =	shalt  }
0x59: {  	_ =	shalt  }
0x5a: {  	_ =	shalt  }
0x5b: {  	_ =	shalt  }
0x5c: {  	_ =	shalt  }
0x5d: {  	_ =	shalt  }
0x5e: {  	_ =	shalt  }
0x5f: {  	_ =	shalt  }
0x60: {  	_ =	shalt  }
0x61: {  	_ =	shalt  }
0x62: {  	_ =	shalt  }
0x63: {  	_ =	shalt  }
0x64: {  	_ =	shalt  }
0x65: {  	_ =	shalt  }
0x66: {  	_ =	shalt  }
0x67: {  	_ =	shalt  }
0x68: {  	_ =	shalt  }
0x69: {  	_ =	shalt  }
0x6a: {  	_ =	shalt  }
0x6b: {  	_ =	shalt  }
0x6c: {  	_ =	shalt  }
0x6d: {  	_ =	shalt  }
0x6e: {  	_ =	shalt  }
0x6f: {  	_ =	shalt  }
0x70: {  	_ =	shalt  }
0x71: {  	_ =	shalt  }
0x72: {  	_ =	shalt  }
0x73: {  	_ =	shalt  }
0x74: {  	_ =	shalt  }
0x75: {  	_ =	shalt  }
0x76: {  	_ =	shalt  }
0x77: {  	_ =	shalt  }
0x78: {  	_ =	shalt  }
0x79: {  	_ =	shalt  }
0x7a: {  	_ =	shalt  }
0x7b: {  	_ =	shalt  }
0x7c: {  	_ =	shalt  }
0x7d: {  	_ =	shalt  }
0x7e: {  	_ =	shalt  }
0x7f: {  	_ =	shalt  }
0x80: {  	_ =	shalt  }
0x81: {  	_ =	shalt  }
0x82: {  	_ =	shalt  }
0x83: {  	_ =	shalt  }
0x84: {  	_ =	shalt  }
0x85: {  	_ =	shalt  }
0x86: {  	_ =	shalt  }
0x87: {  	_ =	shalt  }
.Lfunc_end0:
.L_simem_size_0:
called_computation_lowered:
.L_overlay_start_0:
0x88: {  	s2 =	sld [smem:$0x3FD9]  }
0x89: {  	s3 =	sld [smem:$0x3FFE];
	_ =	sdelay $0x1  }
0x8a: {  	s1 =	srdreg.scid  }
0x8b: {  	s0 =	sand.u32 $0x1, s1  }
0x8c: {  	s14 =	sshll.u32 s0, $0xA;
	s2 =	sadd.s32 s3, s2  }
0x8d: {  	s2 =	sadd.s32 s2, s14  }
0x8e: {  	[smem:$0x3FAB] =	sst s2  }
0x8f: {  	_ = 	snop  }
0x90: {  	s2 =	sld [smem:$0x3FD0];
	_ =	sdelay $0x2  }
0x91: {  	s15 =	simm.s32 $0xA;
	s4 =	simm.s32 $0x10  }
0x92: {  	[smem:s4], [sflag:s15] =	dma.local [hbm:s2], $0x1  }
0x93: {  	_ =	swait.eq [sflag:s15], $0x1  }
0x94: {  	[sflag:s15] =	ssyncset.done $0x0  }
0x95: {  	[sflag:s15] =	ssyncadd.s32 $0xFFFFFFFF  }
0x96: {  	s16 =	sld [smem:$0x10];
	(tm) =	ssettm $0x1  }
0x97: {  	s17 =	sld [smem:$0x3FFB];
	_ =	sdelay $0x3  }
0x98: {  	_ =	strace s17  }
0x99: {  	s3 =	sld [smem:$0x3FFC];
	_ =	sdelay $0x3  }
0x9a: {  	_ =	strace s3  }
0x9b: {  	s3 =	sld [smem:$0x3FFD];
	_ =	sdelay $0x3  }
0x9c: {  	_ =	strace s3  }
0x9d: {  	_ =	strace $0x8FFFFFFF  }
0x9e: {  	s18 =	sld [smem:$0x3FDB];
	_ =	sdelay $0x1  }
0x9f: {  	s19 =	simm.s32 $_scs_section_size  }
0xa0: {  	s5 =	simm.s32 $_size__tile_overlayer_lowered;
	s6 =	simm.s32 $_tile_overlayer_lowered  }
0xa1: {  	s22 =	simm.s32 $0x1BFF;
	s21 =	sshll.u32 s6, $0x1;
	s3 =	sadd.s32 s19, s18  }
0xa2: {  	s7 =	simm.s32 $0x0;
	s20 =	sshll.u32 s5, $0x1;
	s5 =	sadd.s32 s21, s3  }
0xa3: {  	[timem:s7], [sflag:s22] =	dma.local [hbm:s5], s20  }
0xa4: {  	_ =	swait.ge [sflag:s22], s20  }
0xa5: {  	s4 =	ssub.s32 $0x0, s20;
	[sflag:s22] =	ssyncset.done $0x0  }
0xa6: {  	[sflag:s22] =	ssyncadd.s32 s4;
	_ =	sdelay $0x1  }
0xa7: {  	s23 =	simm.s32 $0x1B8B  }
0xa8: {  	_ =	swait.ge [sflag:s23], $0x1  }
0xa9: {  	[sflag:s23] =	ssyncset.done $0x0  }
0xaa: {  	s25 =	simm.s32 $0x1B8E;
	s24 =	sld [smem:$0x3FFE];
	[sflag:s23] =	ssyncadd.s32 $0xFFFFFFFF  }
0xab: {  	s26 =	simm.s32 $execute0_lowered;
	[smem:$0x3FD2] =	sst s25  }
0xac: {  	s5 =	sshll.u32 s26, $0x1;
	_ =	strace $0x80000046;
	[dreg:$0x1] =	wrdreg $0xFFFFFFFF  }
0xad: {  	s28 =	simm.s32 $_size_execute0_lowered;
	s3 =	sadd.s32 s3, s5;
	[dreg:$0x0] =	wrdreg $0x0  }
0xae: {  	s5 =	sshll.u32 s28, $0x1;
	[dreg:$0x2] =	wrdreg s3  }
0xaf: {  	[dreg:$0x3] =	wrdreg s5  }
0xb0: {  	[dreg:$0x4] =	wrdreg $0xC0  }
0xb1: {  	_ =	task [dreg:s7], $0x5FFFF  }
0xb2: {  	[dreg:$0x1] =	wrdreg $0xFFFFFFFF  }
0xb3: {  	[dreg:$0x0] =	wrdreg $0x60  }
0xb4: {  	[dreg:$0x2] =	wrdreg s24  }
0xb5: {  	[dreg:$0x3] =	wrdreg s16  }
0xb6: {  	[dreg:$0x4] =	wrdreg $0xCE800  }
0xb7: {  	[dreg:$0x5] =	wrdreg $0xF6800  }
0xb8: {  	[dreg:$0x6] =	wrdreg $0x9  }
0xb9: {  	_ =	task.clear_ibuf [dreg:s7], $0x7FFFF;
	_ =	strace $0x90000046  }
0xba: {  	s29 =	simm.s32 $0x9;
	_ =	strace $0x80000048  }
0xbb: {  	_ =	swait.ge [sflag:s29], $0x1  }
0xbc: {  	[sflag:s29] =	ssyncadd.s32 $0xFFFFFFFF  }
0xbd: {  	_ =	strace $0x90000048  }
0xbe: {  	_ =	sfence  }
0xbf: {  	s30 =	sld [smem:$0x0];
	_ =	sdelay $0x2  }
0xc0: {  	s31 =	sshll.u32 s1, $0xD;
	s1 =	sshrl.u32 s1, $0x2  }
0xc1: {  	s3 =	sand.u32 $0x4000, s31;
	s1 =	sadd.s32 s1, s30  }
0xc2: {  	s0 =	sor.u32 s3, s0;
	s1 =	sshll.u32 s1, $0x11  }
0xc3: {  	s0 =	sor.u32 s1, s0  }
0xc4: {  	s0 =	sadd.s32 $0x8F2B, s0  }
0xc5: {  	[sflag:s0] =	ssyncadd.remote.s32 $0x1  }
0xc6: {  	_ =	sfence.sel $0xFFFF  }
0xc7: {  	[dreg:$0x0] =	wrdreg $0xFFFFFFFF;
	(pc) =	sbr.abs _section_cstart, $3  }
0xc8: {  	[dreg:$0x1] =	wrdreg $0xFFFFFFFF  }
0xc9: {  	_ =	task.clear_ibuf [dreg:s7], $0x2FFFF;
	_ =	strace $0x9FFFFFFF  }
0xca: {  	(tm) =	ssettm $0x7FFFFFFF  }
0xcb: {  	_ =	shalt  }
tec
execute0_lowered:
.L_overlay_start_1:
0x0: {  	(tag) =	ssettag $0x1  }
0x1: {  	s1 =	srdreg.scid  }
0x2: {  	s1 =	sand.u32 $0x1, s1  }
0x3: {  	s5 =	rddreg [dreg:$0x0];
	p0 =	seq.s32 s1, $0x1  }
.Ltmp0:
0x4: {  	s3 =	rddreg [dreg:$0x1];
	(pc) =	sbr.rel @p0 .LBB2_14-.Ltmp0, $4  }
0x5: {  	s4 =	rddreg [dreg:$0x2]  }
0x6: {  	s2 =	rddreg [dreg:$0x3];
	s6 =	simm.s32 $0x0  }
0x7: {  	[smem:$0x7FF] =	sst s6  }
0x8: {  	s0 =	rddreg [dreg:$0x4];
	_ =	strace $0x80000047;
	s1 =	stileid.u32  }
0x9: {  	s7 =	sadd.s32 $0xE400, s5;
	s8 =	simm.s32 $0xCE00;
	s22 =	simm.s32 $0x1  }
0xa: {  	[tilespmem:s8], [sflag:$0x1] =	stream.linear.gather [hbm4b:s7+s6], $0x80, $0x38;
	[tilespmem:$0xF900] =	vst v63  }
0xb: {  	s9 =	smul.u32 $0x4E2, s1;
	_ =	swait.ge [sflag:s22], $0x80  }
0xc: {  	s23 =	sadd.s32 $0x9400, s5;
	s24 =	sadd.s32 $0x4400, s5;
	[sflag:s22] =	ssyncset.done $0x0  }
0xd: {  	s25 =	sshrl.u32 s1, $0x3;
	s8 =	sadd.s32 s23, s9;
	[sflag:s22] =	ssyncadd.s32 $0xFFFFFF80  }
0xe: {  	[tilespmem:s6], [sflag:$0x1] =	stream.linear.gather [hbm4b:s8+s6], $0x2710, $0x38;
	[tilespmem:$0xF900] =	vst v63  }
0xf: {  	s10 =	sshll.u32 s1, $0x7;
	s28 =	smul.u32 $0x5000, s1;
	_ =	swait.ge [sflag:s22], $0x2710  }
0x10: {  	s11 =	simm.s32 $0x2780;
	s29 =	smul.u32 $0xA00, s1;
	[sflag:s22] =	ssyncset.done $0x0  }
0x11: {  	s5 =	sadd.s32 s24, s9;
	s8 =	smul.u32 $0x50000, s25;
	[sflag:s22] =	ssyncadd.s32 $0xFFFFD8F0  }
0x12: {  	[tilespmem:s11], [sflag:$0x1] =	stream.linear.gather [hbm4b:s5+s6], $0x2710, $0x38;
	[tilespmem:$0xF900] =	vst v63  }
0x13: {  	s26 =	sand.u32 $0x380, s10;
	s30 =	sshrl.u32 s28, $0x2;
	_ =	swait.ge [sflag:s22], $0x2710  }
0x14: {  	s31 =	sshrl.u32 s29, $0x2;
	s8 =	sshrl.u32 s8, $0x2;
	[sflag:s22] =	ssyncset.done $0x0  }
0x15: {  	s3 =	sadd.s32 s3, s9;
	s8 =	sadd.s32 s8, s4;
	[sflag:s22] =	ssyncadd.s32 $0xFFFFD8F0  }
0x16: {  	v1 =	vimm.s32 $0x0;
	s8 =	sadd.s32 s26, s8;
	s5 =	sadd.s32 s30, s4;
	s4 =	sadd.s32 s31, s2;
	v0 =	vld [tilespmem:$0xCE00]  }
.LBB2_2:
0x17: {  	p0 =	sne.s32 s6, $0x9FC0  }
.Ltmp1:
0x18: {  	_ = 	snop;
	(pc) =	sbr.rel @p0 .LBB2_2-.Ltmp1, $3  }
0x19: {  	_ =	sdelay $0x1  }
0x1a: {  	s7 =	sshra.s32 s6, $0x2  }
0x1b: {  	s6 =	sadd.s32 $0x40, s6;
	[tilespmem:s7+$0x4F00] =	vst v1  }
0x1c: {  	v1 =	vimm.s32 $0x1;
	s6 =	simm.s32 $0x4F00;
	s9 =	simm.s32 $0x0;
	s7 =	simm.s32 $0x40  }
.LBB2_4:
0x1d: {  	p0 =	sne.s32 s7, $0x9C00;
	v2 =	vld [tilespmem:s9+$0x0];
	_ =	sdelay $0x2  }
0x1e: {  	v3 =	vld [tilespmem:s9+$0x2780];
	_ =	sdelay $0x1  }
0x1f: {  	vm0 =	veq.s32 v2, v0;
	_ =	sdelay $0x1  }
.Ltmp2:
0x20: {  	(pc) =	sbr.rel @p0 .LBB2_4-.Ltmp2, $2  }
0x21: {  	_ =	sdelay $0x2  }
0x22: {  	s9 =	sshra.s32 s7, $0x2;
	s7 =	sadd.s32 $0x40, s7;
	[tilespmem:v3+s6+$0x0] =	vst.idx.add.s32.msk vm0, v1  }
0x23: {  	v2 =	vld [tilespmem:s9+$0x0];
	_ =	sdelay $0x2  }
0x24: {  	v3 =	vld [tilespmem:s9+$0x2780];
	_ =	sdelay $0x1  }
0x25: {  	vm0 =	veq.s32 v2, v0;
	_ =	sdelay $0x5  }
0x26: {  	s7 =	simm.s32 $0x400;
	s30 =	simm.s32 $0x4F00;
	[tilespmem:v3+s6+$0x0] =	vst.idx.add.s32.msk vm0, v1;
	s6 =	simm.s32 $0x80  }
0x27: {  	[spmem:s8] =	stream.strided.scatter [tilespmem:s30], [sflag:$0x1], $0x2800, s7, s6, $0x38;
	[tilespmem:$0xF900] =	vst v63  }
0x28: {  	s8 =	simm.s32 $0x1  }
0x29: {  	_ =	swait.ge [sflag:s8], $0x2800  }
0x2a: {  	[sflag:s8] =	ssyncset.done $0x0  }
0x2b: {  	[sflag:s8] =	ssyncadd.s32 $0xFFFFD800  }
0x2c: {  	s31 =	simm.s32 $0x7980;
	[bflag:$0x0] =	sbarrier.arrive $0xFFFF  }
0x2d: {  	[tilespmem:s31], [sflag:$0x1] =	stream.strided.gather [spmem:s5], $0x280, s7, s6, $0x38;
	[tilespmem:$0xF900] =	vst v63  }
0x2e: {  	_ =	swait.ge [sflag:s8], $0x280  }
0x2f: {  	[sflag:s8] =	ssyncset.done $0x0  }
0x30: {  	s9 =	simm.s32 $0x7700;
	s10 =	simm.s32 $0x1;
	[sflag:s8] =	ssyncadd.s32 $0xFFFFFD80  }
.LBB2_6:
0x31: {  	s11 =	sshrl.u32 s10, $0x3  }
0x32: {  	s11 =	smul.u32 $0x50000, s11;
	_ =	sdelay $0x1  }
0x33: {  	s12 =	sshll.u32 s10, $0x7;
	s11 =	sshra.s32 s11, $0x2  }
0x34: {  	s12 =	sand.u32 $0x380, s12;
	s11 =	sadd.s32 s11, s5  }
0x35: {  	s11 =	sadd.s32 s12, s11  }
0x36: {  	[tilespmem:s9], [sflag:$0x1] =	stream.strided.gather [spmem:s11], $0x280, s7, s6, $0x38;
	[tilespmem:$0xF900] =	vst v63  }
0x37: {  	_ =	swait.ge [sflag:s8], $0x280  }
0x38: {  	[sflag:s8] =	ssyncset.done $0x0  }
0x39: {  	s11 =	simm.s32 $0x0;
	[sflag:s8] =	ssyncadd.s32 $0xFFFFFD80  }
0x3a: {  	s12 =	simm.s32 $0x40;
	v1 =	vld [tilespmem:s11+$0x7700]  }
.LBB2_7:
0x3b: {  	p0 =	sne.s32 s12, $0x9C0;
	v2 =	vld [tilespmem:s11+$0x7980];
	_ =	sdelay $0x1  }
.Ltmp3:
0x3c: {  	(pc) =	sbr.rel @p0 .LBB2_7-.Ltmp3, $3  }
0x3d: {  	_ =	sdelay $0x1  }
0x3e: {  	s13 =	sshra.s32 s12, $0x2;
	v2 =	vadd.s32 v2, v1  }
0x3f: {  	s12 =	sadd.s32 $0x40, s12;
	v1 =	vld [tilespmem:s13+$0x7700];
	[tilespmem:s11+$0x7980] =	vst v2;
	s11 =	smov.u32 s13  }
0x40: {  	v2 =	vld [tilespmem:s11+$0x7980];
	s10 =	sadd.s32 $0x1, s10  }
0x41: {  	p0 =	sne.s32 s10, $0x10  }
.Ltmp4:
0x42: {  	_ = 	snop;
	(pc) =	sbr.rel @p0 .LBB2_6-.Ltmp4, $3  }
0x43: {  	_ =	sdelay $0x1  }
0x44: {  	v1 =	vadd.s32 v2, v1  }
0x45: {  	[tilespmem:s11+$0x7980] =	vst v1  }
0x46: {  	s5 =	simm.s32 $0x0  }
0x47: {  	v1 =	vld [tilespmem:s5+$0x7980];
	_ =	sdelay $0x4  }
0x48: {  	v1 =	vcvt.s32.f32 v1  }
0x49: {  	s6 =	simm.s32 $0x10  }
0x4a: {  	(erf) = vrcp.f32 v1;
	v1 =	vld [tilespmem:s6+$0x7980];
	_ =	sdelay $0x4  }
0x4b: {  	s7 =	simm.s32 $0x20;
	v2 =	vcvt.s32.f32 v1  }
0x4c: {  	v1 =	vld [tilespmem:s7+$0x7980]  }
0x4d: {  	(erf) = vrcp.f32 v2;
	_ =	sdelay $0x2  }
0x4e: {  	s8 =	simm.s32 $0xC0;
	v2 =	vpop (erf)  }
.LBB2_10:
0x4f: {  	s9 =	sshra.s32 s8, $0x2;
	p0 =	sne.s32 s8, $0x9C0;
	s8 =	sadd.s32 $0x40, s8;
	v3 =	vcvt.s32.f32 v1;
	[tilespmem:s5+$0x7C00] =	vst v2  }
.Ltmp5:
0x50: {  	s5 =	smov.u32 s6;
	s6 =	smov.u32 s7;
	v1 =	vld [tilespmem:s9+$0x7980];
	(pc) =	sbr.rel @p0 .LBB2_10-.Ltmp5, $2  }
0x51: {  	s7 =	smov.u32 s9;
	(erf) = vrcp.f32 v3;
	_ =	sdelay $0x2  }
0x52: {  	v2 =	vpop (erf)  }
0x53: {  	v1 =	vcvt.s32.f32 v1;
	_ =	sdelay $0x1  }
0x54: {  	(erf) = vrcp.f32 v1;
	_ =	sdelay $0x7  }
0x55: {  	[tilespmem:s5+$0x7C00] =	vst v2;
	v1 =	vpop (erf)  }
0x56: {  	[tilespmem:s6+$0x7C00] =	vst v1;
	v1 =	vpop (erf)  }
0x57: {  	s30 =	simm.s32 $0x7C00;
	s31 =	simm.s32 $0x1;
	[tilespmem:s7+$0x7C00] =	vst v1  }
0x58: {  	[spmem:s4] =	stream.linear.scatter [tilespmem:s30], [sflag:$0x1], $0x280, $0x38;
	[tilespmem:$0xF900] =	vst v63  }
0x59: {  	_ =	swait.ge [sflag:s31], $0x280  }
0x5a: {  	[sflag:s31] =	ssyncset.done $0x0  }
0x5b: {  	[sflag:s31] =	ssyncadd.s32 $0xFFFFFD80  }
0x5c: {  	s4 =	simm.s32 $0x7E80;
	[bflag:$0x0] =	sbarrier.arrive $0xFFFF  }
0x5d: {  	[tilespmem:s4], [sflag:$0x1] =	stream.linear.gather [spmem:s2], $0x2800, $0x38;
	[tilespmem:$0xF900] =	vst v63  }
0x5e: {  	_ =	swait.ge [sflag:s31], $0x2800  }
0x5f: {  	[sflag:s31] =	ssyncset.done $0x0  }
0x60: {  	s2 =	simm.s32 $0x0;
	[sflag:s31] =	ssyncadd.s32 $0xFFFFD800  }
0x61: {  	v2 =	vld [tilespmem:s2+$0x2780];
	_ =	sdelay $0x6  }
0x62: {  	v1 =	vld [tilespmem:s2+$0x0]  }
0x63: {  	s5 =	simm.s32 $0x10;
	s6 =	simm.s32 $0x80;
	v2 =	vld.idx.msk [tilespmem:v2+s4+$0x0], $0xffff  }
.LBB2_12:
0x64: {  	p0 =	sne.s32 s6, $0x9C00;
	v3 =	vld [tilespmem:s5+$0x2780];
	_ =	sdelay $0x3  }
.Ltmp6:
0x65: {  	vm0 =	veq.s32 v1, v0;
	(pc) =	sbr.rel @p0 .LBB2_12-.Ltmp6, $4  }
0x66: {  	v1 =	vnsel vm0, $0x0, v2  }
0x67: {  	[tilespmem:s2+$0xA680] =	vst v1;
	s2 =	smov.u32 s5  }
0x68: {  	v1 =	vld [tilespmem:s2+$0x0]  }
0x69: {  	s5 =	sshra.s32 s6, $0x2;
	s6 =	sadd.s32 $0x40, s6;
	v2 =	vld.idx.msk [tilespmem:v3+s4+$0x0], $0xffff  }
0x6a: {  	v3 =	vld [tilespmem:s5+$0x2780];
	_ =	sdelay $0x3  }
0x6b: {  	vm0 =	veq.s32 v1, v0  }
0x6c: {  	v1 =	vnsel vm0, $0x0, v2  }
0x6d: {  	[tilespmem:s2+$0xA680] =	vst v1  }
0x6e: {  	v1 =	vld [tilespmem:s5+$0x0]  }
0x6f: {  	v63 =	vld.idx.msk [tilespmem:v3+s4+$0x0], $0xffff;
	_ =	sdelay $0x3  }
0x70: {  	vm15 =	veq.s32 v1, v0  }
0x71: {  	v0 =	vnsel vm15, $0x0, v63  }
0x72: {  	s29 =	simm.s32 $0x0;
	s30 =	simm.s32 $0xA680;
	s31 =	simm.s32 $0x1;
	[tilespmem:s5+$0xA680] =	vst v0  }
0x73: {  	[hbm4b:s3+s29] =	stream.linear.scatter [tilespmem:s30], [sflag:$0x1], $0x2710, $0x38;
	[tilespmem:$0xF900] =	vst v63  }
0x74: {  	_ =	swait.ge [sflag:s31], $0x2710  }
0x75: {  	[sflag:s31] =	ssyncset.done $0x0  }
0x76: {  	[sflag:s31] =	ssyncadd.s32 $0xFFFFD8F0  }
.LBB2_14:
0x77: {  	_ =	sfence.sel $0x180000  }
0x78: {  	[bflag:$0x0] =	sbarrier.arrive $0xFFFF  }
0x79: {  	p0 =	sne.s32 s1, $0x0;
	_ =	strace $0x90000047  }
0x7a: {  	s0 =	sadd.s32 @!p0 $0x100000, s0;
	[bflag:$0x2] =	sbarrier.arrive $0xFFFF  }
0x7b: {  	[sflag:s0] =	ssyncadd.tile.s32 @!p0 $0x1;
	_ =	shalt  }
.Lfunc_end2:
_tile_overlayer_lowered:
.L_overlay_start_2:
0x7c: {  	(tag) =	ssettag $0x2  }
0x7d: {  	s0 =	rddreg [dreg:$0x0];
	s2 =	stileid.u32  }
0x7e: {  	s1 =	rddreg [dreg:$0x1];
	p0 =	sne.s32 s2, $0x0  }
0x7f: {  	s3 =	rddreg [dreg:$0x2];
	[bflag:$0x3] =	sbarrier.arrive $0xFFFF;
	s2 =	simm.s32 @!p0 $0x1C01  }
0x80: {  	[timem:s3], [sflag:s2] =	dma.local @!p0 [hbm:s0], s1  }
0x81: {  	s0 =	simm.s32 @!p0 $0x1  }
0x82: {  	_ =	swait.ge @!p0 [sflag:s0], s1  }
0x83: {  	s1 =	ssub.s32 @!p0 $0x0, s1;
	[sflag:s0] =	ssyncset.done @!p0 $0x0  }
0x84: {  	[sflag:s0] =	ssyncadd.s32 @!p0 s1  }
0x85: {  	[bflag:$0x3] =	sbarrier.arrive $0xFFFF  }
0x86: {  	_ =	shalt  }

</sc_bundles>
